<compile_context>
chip_gen: v7x
topology: tpu7x:2x2x1
jax: 0.10.2.dev20260603
libtpu: 0.0.44.dev20260713+nightly
codegen_flags: <defaults>
</compile_context>

<pallas_src>
import functools

import jax
import jax.numpy as jnp
from jax import lax
from jax.experimental import pallas as pl
from jax.experimental.pallas import tpu as pltpu
from jax.experimental.pallas import tpu_sc as plsc

B, T, D, L, V = 4096, 200, 64, 4, 100000
VE = V + 2
N = B * T
NC, NS = 2, 16
NW = NC * NS
GRP = 2
NGROUPS = 3
NBUF = NGROUPS * GRP

BC = 2048
VEP = 100352
DP = 2 * D

BPW = B // NW
SZ = (128, 72)
T0 = (0, 128)


def _aug_body(e0_ref, e1_ref, e2_ref, e3_ref, lv_ref, out_ref):
    lv = lv_ref[...]
    for l, e_ref in enumerate((e0_ref, e1_ref, e2_ref, e3_ref)):
        row = e_ref[...].T + lv[l, :]
        out_ref[l, :, :] = jnp.concatenate([row, row], axis=-1)


def _build_table(emb0, emb1, emb2, emb3, level_embed):
    aug = pl.pallas_call(
        _aug_body,
        grid=(VEP // BC,),
        in_specs=[pl.BlockSpec((D, BC), lambda i: (0, i)) for _ in range(4)]
        + [pl.BlockSpec((L, D), lambda i: (0, 0))],
        out_specs=pl.BlockSpec((L, BC, DP), lambda i: (0, i, 0)),
        out_shape=jax.ShapeDtypeStruct((L, VEP, DP), jnp.float32),
    )(emb0.T, emb1.T, emb2.T, emb3.T, level_embed)
    return aug.reshape(L * VEP, DP)


def _idx_body(lv_ref, tk_ref, out_ref):
    out_ref[...] = lv_ref[...].T * VEP + tk_ref[...].T


def _build_idx(level_ids, token_ids):
    IB = 512
    return pl.pallas_call(
        _idx_body,
        grid=(B // IB,),
        in_specs=[pl.BlockSpec((T, IB), lambda i: (0, i)) for _ in range(2)],
        out_specs=pl.BlockSpec((IB, T), lambda i: (i, 0)),
        out_shape=jax.ShapeDtypeStruct((B, T), jnp.int32),
    )(level_ids.T, token_ids.T)


_MESH = plsc.VectorSubcoreMesh(
    core_axis_name="c", subcore_axis_name="s", num_cores=NC, num_subcores=NS
)


@functools.partial(
    pl.kernel,
    out_type=jax.ShapeDtypeStruct((B, T, D), jnp.float32),
    mesh=_MESH,
    scratch_types=(
        [pltpu.VMEM((BPW, T), jnp.int32)]
        + [pltpu.VMEM((SZ[0], DP), jnp.float32) for _ in range(NBUF)]
        + [pltpu.SemaphoreType.DMA for _ in range(2 * NGROUPS)]
    ),
    compiler_params=pltpu.CompilerParams(use_tc_tiling_on_sc=False),
    name="sc_gather",
)
def _sc_gather(idx_hbm, table_hbm, out_hbm, idx_v,
               b0, b1, b2, b3, b4, b5, gs0, gs1, gs2, ws0, ws1, ws2):
    bufs = ((b0, b1), (b2, b3), (b4, b5))
    gsem = (gs0, gs1, gs2)
    wsem = (ws0, ws1, ws2)
    wid = lax.axis_index("s") * NC + lax.axis_index("c")
    row0 = wid * BPW

    pltpu.sync_copy(idx_hbm.at[pl.ds(row0, BPW)], idx_v)

    def chunk_idx(r, b):
        return idx_v.at[r, pl.ds(T0[b], SZ[b])]

    def chunk_out(r, b):
        return out_hbm.at[row0 + r, pl.ds(T0[b], SZ[b]), :]

    def buf_g(g, b):
        return bufs[g][b].at[pl.ds(0, SZ[b]), :]

    def buf_w(g, b):
        return bufs[g][b].at[pl.ds(0, SZ[b]), pl.ds(0, D)]

    for g in range(NGROUPS):
        for b in range(GRP):
            pltpu.async_copy(table_hbm.at[chunk_idx(g, b)], buf_g(g, b), gsem[g])

    def do_round(r, g):
        for b in range(GRP):
            pltpu.make_async_copy(
                table_hbm.at[chunk_idx(0, b)], buf_g(g, b), gsem[g]
            ).wait()
        for b in range(GRP):
            pltpu.async_copy(buf_w(g, b), chunk_out(r, b), wsem[g])
        for b in range(GRP):
            pltpu.make_async_copy(buf_w(g, b), chunk_out(r, b), wsem[g]).wait()

        @pl.when(r + NGROUPS < BPW)
        def _():
            for b in range(GRP):
                pltpu.async_copy(
                    table_hbm.at[chunk_idx(r + NGROUPS, b)], buf_g(g, b), gsem[g]
                )

    def outer(i, carry):
        for g in range(NGROUPS):
            do_round(NGROUPS * i + g, g)
        return carry

    nfull = BPW // NGROUPS
    lax.fori_loop(0, nfull, outer, None)
    for r in range(nfull * NGROUPS, BPW):
        do_round(r, r % NGROUPS)


def kernel(level_ids, token_ids, emb0, emb1, emb2, emb3, level_embed):
    level_ids = level_ids.astype(jnp.int32)
    token_ids = token_ids.astype(jnp.int32)
    table = _build_table(emb0, emb1, emb2, emb3, level_embed)
    gidx = _build_idx(level_ids, token_ids)
    return _sc_gather(gidx, table)

# --- scband reference (transcript-rebuilt; emitter-appended) ---
"""Pipeline reference for scband-multi-level-embedding-34437047780006 (READ-ONLY COPY).

The authoritative reference and input builder live on the scoring server;
editing this copy changes nothing except your own understanding.
"""

import jax, jax.numpy as jnp
import numpy as np

B, T, D, L, V = 4096, 200, 64, 4, 100000
VE = V + 2  # add_pad_cls adds 2 extra rows per level table

def setup_inputs(seed: int = 0) -> dict:
    key = jax.random.key(seed)
    ks = jax.random.split(key, 7)
    inp = {}
    inp["level_ids"] = jax.random.randint(ks[0], (B, T), 0, L, dtype=jnp.int64 if jax.config.read('jax_enable_x64') else jnp.int32)
    inp["token_ids"] = jax.random.randint(ks[1], (B, T), 0, V, dtype=jnp.int64 if jax.config.read('jax_enable_x64') else jnp.int32)
    inp["emb0"] = jax.random.normal(ks[2], (VE, D), dtype=jnp.float32) * 0.02
    inp["emb1"] = jax.random.normal(ks[3], (VE, D), dtype=jnp.float32) * 0.02
    inp["emb2"] = jax.random.normal(ks[4], (VE, D), dtype=jnp.float32) * 0.02
    inp["emb3"] = jax.random.normal(ks[5], (VE, D), dtype=jnp.float32) * 0.02
    inp["level_embed"] = jax.random.normal(ks[6], (L, D), dtype=jnp.float32) * 0.02
    return inp

def reference(level_ids, token_ids, emb0, emb1, emb2, emb3, level_embed):
    # Faithful translation of MultiLevelEmbedding.forward (eval mode: dropout = identity).
    tables = [emb0, emb1, emb2, emb3]
    Bv, Tv = level_ids.shape
    Dv = emb0.shape[1]
    flat_lvl = level_ids.reshape(-1)
    flat_tok = token_ids.reshape(-1)
    out2 = jnp.zeros((Bv * Tv, Dv), dtype=jnp.float32)
    for l in range(L):
        mask = (flat_lvl == l)
        # gather from level-l table for all tokens, add level embedding, write where masked
        emb_tok = jnp.take(tables[l], flat_tok, axis=0) + level_embed[l]
        out2 = jnp.where(mask[:, None], emb_tok, out2)
    return out2.reshape(Bv, Tv, Dv)

if __name__ == "__main__":
    import jax
    _d = setup_inputs()
    print(jax.jit(kernel)(*tuple(_d.values())))

</pallas_src>

<mosaic_0001>
#map = affine_map<(d0, d1) -> (0, 0)>
#map1 = affine_map<(d0, d1) -> (0, 0, 0)>
module attributes {stable_mosaic.version = 14 : i64} {
  func.func @sc_gather(%arg0: i32, %arg1: i32, %arg2: memref<4096x200xi32, #tpu.memory_space<hbm>>, %arg3: memref<401408x128xf32, #tpu.memory_space<hbm>>, %arg4: memref<4096x200x64xf32, #tpu.memory_space<hbm>>, %arg5: memref<128x200xi32, #tpu.memory_space<vmem>>, %arg6: memref<128x128xf32, #tpu.memory_space<vmem>>, %arg7: memref<128x128xf32, #tpu.memory_space<vmem>>, %arg8: memref<128x128xf32, #tpu.memory_space<vmem>>, %arg9: memref<128x128xf32, #tpu.memory_space<vmem>>, %arg10: memref<128x128xf32, #tpu.memory_space<vmem>>, %arg11: memref<128x128xf32, #tpu.memory_space<vmem>>, %arg12: memref<!tpu.dma_semaphore, #tpu.memory_space<semaphore_mem>>, %arg13: memref<!tpu.dma_semaphore, #tpu.memory_space<semaphore_mem>>, %arg14: memref<!tpu.dma_semaphore, #tpu.memory_space<semaphore_mem>>, %arg15: memref<!tpu.dma_semaphore, #tpu.memory_space<semaphore_mem>>, %arg16: memref<!tpu.dma_semaphore, #tpu.memory_space<semaphore_mem>>, %arg17: memref<!tpu.dma_semaphore, #tpu.memory_space<semaphore_mem>>) attributes {dimension_semantics = [#tpu.dimension_semantics<core_parallel>, #tpu.dimension_semantics<subcore_parallel>], iteration_bounds = array<i64: 2, 16>, scalar_prefetch = 0 : i64, scratch_operands = 13 : i64, tpu.core_type = #tpu.core_type<sc_vector_subcore>, window_params = [{transform_indices = #map}, {transform_indices = #map}, {transform_indices = #map1}]} {
    %mul3A = arith.constant 2 : i32
    %mul3A_0 = arith.muli %arg1, %mul3A : i32
    %add3A = arith.addi %mul3A_0, %arg0 : i32
    %mul3A_1 = arith.constant 128 : i32
    %mul3A_2 = arith.muli %add3A, %mul3A_1 : i32
    "tpu.region"() ({
      %run_scoped3A = tpu.sem_alloc : memref<!tpu.dma_semaphore, #tpu.memory_space<semaphore_mem>>
      %dma_start3A_233 = arith.constant 0 : i32
      %dma_start3A_234 = tpu.memref_slice %arg2[%mul3A_2, %dma_start3A_233] : memref<4096x200xi32, #tpu.memory_space<hbm>> -> memref<128x200xi32, #tpu.memory_space<hbm>>
      %dma_start3A_235 = arith.constant 0 : i32
      %dma_start3A_236 = tpu.memref_slice %arg2[%mul3A_2, %dma_start3A_235] : memref<4096x200xi32, #tpu.memory_space<hbm>> -> memref<128x200xi32, #tpu.memory_space<hbm>>
      tpu.enqueue_dma source(%dma_start3A_236 : memref<128x200xi32, #tpu.memory_space<hbm>>) target(%arg5 : memref<128x200xi32, #tpu.memory_space<vmem>>) target_semaphore(%run_scoped3A : memref<!tpu.dma_semaphore, #tpu.memory_space<semaphore_mem>>)
      %dma_wait3A_237 = arith.constant 0 : i32
      %dma_wait3A_238 = tpu.memref_slice %arg2[%mul3A_2, %dma_wait3A_237] : memref<4096x200xi32, #tpu.memory_space<hbm>> -> memref<128x200xi32, #tpu.memory_space<hbm>>
      %dma_wait3A_239 = arith.constant 0 : i32
      %dma_wait3A_240 = tpu.memref_slice %arg2[%mul3A_2, %dma_wait3A_239] : memref<4096x200xi32, #tpu.memory_space<hbm>> -> memref<128x200xi32, #tpu.memory_space<hbm>>
      tpu.wait_dma2 semaphore(%run_scoped3A : memref<!tpu.dma_semaphore, #tpu.memory_space<semaphore_mem>>) src(%dma_wait3A_240 : memref<128x200xi32, #tpu.memory_space<hbm>>) dst(%arg5 : memref<128x200xi32, #tpu.memory_space<vmem>>)
      tpu.yield
    }) : () -> ()
    %dma_start3A = arith.constant 0 : i32
    %dma_start3A_3 = arith.constant 0 : i32
    %dma_start3A_4 = arith.constant 0 : i32
    %dma_start3A_5 = tpu.memref_slice %arg6[%dma_start3A_3, %dma_start3A_4] : memref<128x128xf32, #tpu.memory_space<vmem>> -> memref<128x128xf32, #tpu.memory_space<vmem>>
    %dma_start3A_6 = arith.constant 0 : i32
    %dma_start3A_7 = tpu.memref_slice %arg5[%dma_start3A, %dma_start3A_6] : memref<128x200xi32, #tpu.memory_space<vmem>> -> memref<1x128xi32, #tpu.memory_space<vmem>>
    %dma_start3A_8 = tpu.memref_squeeze %dma_start3A_7 : memref<1x128xi32, #tpu.memory_space<vmem>> -> memref<128xi32, #tpu.memory_space<vmem>>
    %dma_start3A_9 = arith.constant 0 : i32
    %dma_start3A_10 = arith.constant 0 : i32
    %dma_start3A_11 = tpu.memref_slice %arg3[%dma_start3A_9, %dma_start3A_10] : memref<401408x128xf32, #tpu.memory_space<hbm>> -> memref<401408x128xf32, #tpu.memory_space<hbm>>
    tpu.enqueue_indirect_dma source(%dma_start3A_11 : memref<401408x128xf32, #tpu.memory_space<hbm>>) target(%dma_start3A_5 : memref<128x128xf32, #tpu.memory_space<vmem>>) offsets(%dma_start3A_8 : memref<128xi32, #tpu.memory_space<vmem>>) semaphore(%arg12 : memref<!tpu.dma_semaphore, #tpu.memory_space<semaphore_mem>>)
    %dma_start3A_12 = arith.constant 0 : i32
    %dma_start3A_13 = arith.constant 0 : i32
    %dma_start3A_14 = arith.constant 0 : i32
    %dma_start3A_15 = tpu.memref_slice %arg7[%dma_start3A_13, %dma_start3A_14] : memref<128x128xf32, #tpu.memory_space<vmem>> -> memref<72x128xf32, #tpu.memory_space<vmem>>
    %dma_start3A_16 = arith.constant 128 : i32
    %dma_start3A_17 = tpu.memref_slice %arg5[%dma_start3A_12, %dma_start3A_16] : memref<128x200xi32, #tpu.memory_space<vmem>> -> memref<1x72xi32, #tpu.memory_space<vmem>>
    %dma_start3A_18 = tpu.memref_squeeze %dma_start3A_17 : memref<1x72xi32, #tpu.memory_space<vmem>> -> memref<72xi32, #tpu.memory_space<vmem>>
    %dma_start3A_19 = arith.constant 0 : i32
    %dma_start3A_20 = arith.constant 0 : i32
    %dma_start3A_21 = tpu.memref_slice %arg3[%dma_start3A_19, %dma_start3A_20] : memref<401408x128xf32, #tpu.memory_space<hbm>> -> memref<401408x128xf32, #tpu.memory_space<hbm>>
    tpu.enqueue_indirect_dma source(%dma_start3A_21 : memref<401408x128xf32, #tpu.memory_space<hbm>>) target(%dma_start3A_15 : memref<72x128xf32, #tpu.memory_space<vmem>>) offsets(%dma_start3A_18 : memref<72xi32, #tpu.memory_space<vmem>>) semaphore(%arg12 : memref<!tpu.dma_semaphore, #tpu.memory_space<semaphore_mem>>)
    %dma_start3A_22 = arith.constant 1 : i32
    %dma_start3A_23 = arith.constant 0 : i32
    %dma_start3A_24 = arith.constant 0 : i32
    %dma_start3A_25 = tpu.memref_slice %arg8[%dma_start3A_23, %dma_start3A_24] : memref<128x128xf32, #tpu.memory_space<vmem>> -> memref<128x128xf32, #tpu.memory_space<vmem>>
    %dma_start3A_26 = arith.constant 0 : i32
    %dma_start3A_27 = tpu.memref_slice %arg5[%dma_start3A_22, %dma_start3A_26] : memref<128x200xi32, #tpu.memory_space<vmem>> -> memref<1x128xi32, #tpu.memory_space<vmem>>
    %dma_start3A_28 = tpu.memref_squeeze %dma_start3A_27 : memref<1x128xi32, #tpu.memory_space<vmem>> -> memref<128xi32, #tpu.memory_space<vmem>>
    %dma_start3A_29 = arith.constant 0 : i32
    %dma_start3A_30 = arith.constant 0 : i32
    %dma_start3A_31 = tpu.memref_slice %arg3[%dma_start3A_29, %dma_start3A_30] : memref<401408x128xf32, #tpu.memory_space<hbm>> -> memref<401408x128xf32, #tpu.memory_space<hbm>>
    tpu.enqueue_indirect_dma source(%dma_start3A_31 : memref<401408x128xf32, #tpu.memory_space<hbm>>) target(%dma_start3A_25 : memref<128x128xf32, #tpu.memory_space<vmem>>) offsets(%dma_start3A_28 : memref<128xi32, #tpu.memory_space<vmem>>) semaphore(%arg13 : memref<!tpu.dma_semaphore, #tpu.memory_space<semaphore_mem>>)
    %dma_start3A_32 = arith.constant 1 : i32
    %dma_start3A_33 = arith.constant 0 : i32
    %dma_start3A_34 = arith.constant 0 : i32
    %dma_start3A_35 = tpu.memref_slice %arg9[%dma_start3A_33, %dma_start3A_34] : memref<128x128xf32, #tpu.memory_space<vmem>> -> memref<72x128xf32, #tpu.memory_space<vmem>>
    %dma_start3A_36 = arith.constant 128 : i32
    %dma_start3A_37 = tpu.memref_slice %arg5[%dma_start3A_32, %dma_start3A_36] : memref<128x200xi32, #tpu.memory_space<vmem>> -> memref<1x72xi32, #tpu.memory_space<vmem>>
    %dma_start3A_38 = tpu.memref_squeeze %dma_start3A_37 : memref<1x72xi32, #tpu.memory_space<vmem>> -> memref<72xi32, #tpu.memory_space<vmem>>
    %dma_start3A_39 = arith.constant 0 : i32
    %dma_start3A_40 = arith.constant 0 : i32
    %dma_start3A_41 = tpu.memref_slice %arg3[%dma_start3A_39, %dma_start3A_40] : memref<401408x128xf32, #tpu.memory_space<hbm>> -> memref<401408x128xf32, #tpu.memory_space<hbm>>
    tpu.enqueue_indirect_dma source(%dma_start3A_41 : memref<401408x128xf32, #tpu.memory_space<hbm>>) target(%dma_start3A_35 : memref<72x128xf32, #tpu.memory_space<vmem>>) offsets(%dma_start3A_38 : memref<72xi32, #tpu.memory_space<vmem>>) semaphore(%arg13 : memref<!tpu.dma_semaphore, #tpu.memory_space<semaphore_mem>>)
    %dma_start3A_42 = arith.constant 2 : i32
    %dma_start3A_43 = arith.constant 0 : i32
    %dma_start3A_44 = arith.constant 0 : i32
    %dma_start3A_45 = tpu.memref_slice %arg10[%dma_start3A_43, %dma_start3A_44] : memref<128x128xf32, #tpu.memory_space<vmem>> -> memref<128x128xf32, #tpu.memory_space<vmem>>
    %dma_start3A_46 = arith.constant 0 : i32
    %dma_start3A_47 = tpu.memref_slice %arg5[%dma_start3A_42, %dma_start3A_46] : memref<128x200xi32, #tpu.memory_space<vmem>> -> memref<1x128xi32, #tpu.memory_space<vmem>>
    %dma_start3A_48 = tpu.memref_squeeze %dma_start3A_47 : memref<1x128xi32, #tpu.memory_space<vmem>> -> memref<128xi32, #tpu.memory_space<vmem>>
    %dma_start3A_49 = arith.constant 0 : i32
    %dma_start3A_50 = arith.constant 0 : i32
    %dma_start3A_51 = tpu.memref_slice %arg3[%dma_start3A_49, %dma_start3A_50] : memref<401408x128xf32, #tpu.memory_space<hbm>> -> memref<401408x128xf32, #tpu.memory_space<hbm>>
    tpu.enqueue_indirect_dma source(%dma_start3A_51 : memref<401408x128xf32, #tpu.memory_space<hbm>>) target(%dma_start3A_45 : memref<128x128xf32, #tpu.memory_space<vmem>>) offsets(%dma_start3A_48 : memref<128xi32, #tpu.memory_space<vmem>>) semaphore(%arg14 : memref<!tpu.dma_semaphore, #tpu.memory_space<semaphore_mem>>)
    %dma_start3A_52 = arith.constant 2 : i32
    %dma_start3A_53 = arith.constant 0 : i32
    %dma_start3A_54 = arith.constant 0 : i32
    %dma_start3A_55 = tpu.memref_slice %arg11[%dma_start3A_53, %dma_start3A_54] : memref<128x128xf32, #tpu.memory_space<vmem>> -> memref<72x128xf32, #tpu.memory_space<vmem>>
    %dma_start3A_56 = arith.constant 128 : i32
    %dma_start3A_57 = tpu.memref_slice %arg5[%dma_start3A_52, %dma_start3A_56] : memref<128x200xi32, #tpu.memory_space<vmem>> -> memref<1x72xi32, #tpu.memory_space<vmem>>
    %dma_start3A_58 = tpu.memref_squeeze %dma_start3A_57 : memref<1x72xi32, #tpu.memory_space<vmem>> -> memref<72xi32, #tpu.memory_space<vmem>>
    %dma_start3A_59 = arith.constant 0 : i32
    %dma_start3A_60 = arith.constant 0 : i32
    %dma_start3A_61 = tpu.memref_slice %arg3[%dma_start3A_59, %dma_start3A_60] : memref<401408x128xf32, #tpu.memory_space<hbm>> -> memref<401408x128xf32, #tpu.memory_space<hbm>>
    tpu.enqueue_indirect_dma source(%dma_start3A_61 : memref<401408x128xf32, #tpu.memory_space<hbm>>) target(%dma_start3A_55 : memref<72x128xf32, #tpu.memory_space<vmem>>) offsets(%dma_start3A_58 : memref<72xi32, #tpu.memory_space<vmem>>) semaphore(%arg14 : memref<!tpu.dma_semaphore, #tpu.memory_space<semaphore_mem>>)
    %scan3A = arith.constant 0 : i32
    %scan3A_62 = arith.constant 42 : i32
    %scan3A_63 = arith.addi %scan3A, %scan3A_62 : i32
    %scan3A_64 = arith.constant 1 : i32
    scf.for %scan3A_233 = %scan3A to %scan3A_63 step %scan3A_64  : i32 {
      %mul3A_234 = arith.constant 3 : i32
      %mul3A_235 = arith.muli %mul3A_234, %scan3A_233 : i32
      %add3A_236 = arith.constant 0 : i32
      %add3A_237 = arith.addi %mul3A_235, %add3A_236 : i32
      %dma_wait3A_238 = arith.constant 0 : i32
      %dma_wait3A_239 = arith.constant 0 : i32
      %dma_wait3A_240 = arith.constant 0 : i32
      %dma_wait3A_241 = tpu.memref_slice %arg6[%dma_wait3A_239, %dma_wait3A_240] : memref<128x128xf32, #tpu.memory_space<vmem>> -> memref<128x128xf32, #tpu.memory_space<vmem>>
      %dma_wait3A_242 = arith.constant 0 : i32
      %dma_wait3A_243 = tpu.memref_slice %arg5[%dma_wait3A_238, %dma_wait3A_242] : memref<128x200xi32, #tpu.memory_space<vmem>> -> memref<1x128xi32, #tpu.memory_space<vmem>>
      %dma_wait3A_244 = tpu.memref_squeeze %dma_wait3A_243 : memref<1x128xi32, #tpu.memory_space<vmem>> -> memref<128xi32, #tpu.memory_space<vmem>>
      %dma_wait3A_245 = arith.constant 0 : i32
      %dma_wait3A_246 = arith.constant 0 : i32
      %dma_wait3A_247 = tpu.memref_slice %arg3[%dma_wait3A_245, %dma_wait3A_246] : memref<401408x128xf32, #tpu.memory_space<hbm>> -> memref<401408x128xf32, #tpu.memory_space<hbm>>
      tpu.wait_indirect_dma semaphore(%arg12 : memref<!tpu.dma_semaphore, #tpu.memory_space<semaphore_mem>>) src(%dma_wait3A_247 : memref<401408x128xf32, #tpu.memory_space<hbm>>) dst(%dma_wait3A_241 : memref<128x128xf32, #tpu.memory_space<vmem>>)
      %dma_wait3A_248 = arith.constant 0 : i32
      %dma_wait3A_249 = arith.constant 0 : i32
      %dma_wait3A_250 = arith.constant 0 : i32
      %dma_wait3A_251 = tpu.memref_slice %arg7[%dma_wait3A_249, %dma_wait3A_250] : memref<128x128xf32, #tpu.memory_space<vmem>> -> memref<72x128xf32, #tpu.memory_space<vmem>>
      %dma_wait3A_252 = arith.constant 128 : i32
      %dma_wait3A_253 = tpu.memref_slice %arg5[%dma_wait3A_248, %dma_wait3A_252] : memref<128x200xi32, #tpu.memory_space<vmem>> -> memref<1x72xi32, #tpu.memory_space<vmem>>
      %dma_wait3A_254 = tpu.memref_squeeze %dma_wait3A_253 : memref<1x72xi32, #tpu.memory_space<vmem>> -> memref<72xi32, #tpu.memory_space<vmem>>
      %dma_wait3A_255 = arith.constant 0 : i32
      %dma_wait3A_256 = arith.constant 0 : i32
      %dma_wait3A_257 = tpu.memref_slice %arg3[%dma_wait3A_255, %dma_wait3A_256] : memref<401408x128xf32, #tpu.memory_space<hbm>> -> memref<401408x128xf32, #tpu.memory_space<hbm>>
      tpu.wait_indirect_dma semaphore(%arg12 : memref<!tpu.dma_semaphore, #tpu.memory_space<semaphore_mem>>) src(%dma_wait3A_257 : memref<401408x128xf32, #tpu.memory_space<hbm>>) dst(%dma_wait3A_251 : memref<72x128xf32, #tpu.memory_space<vmem>>)
      %add3A_258 = arith.addi %mul3A_2, %add3A_237 : i32
      %dma_start3A_259 = arith.constant 0 : i32
      %dma_start3A_260 = arith.constant 0 : i32
      %dma_start3A_261 = tpu.memref_slice %arg6[%dma_start3A_259, %dma_start3A_260] : memref<128x128xf32, #tpu.memory_space<vmem>> -> memref<128x64xf32, #tpu.memory_space<vmem>>
      %dma_start3A_262 = arith.constant 0 : i32
      %dma_start3A_263 = arith.constant 0 : i32
      %dma_start3A_264 = tpu.memref_slice %arg4[%add3A_258, %dma_start3A_262, %dma_start3A_263] : memref<4096x200x64xf32, #tpu.memory_space<hbm>> -> memref<1x128x64xf32, #tpu.memory_space<hbm>>
      %dma_start3A_265 = tpu.memref_squeeze %dma_start3A_264 : memref<1x128x64xf32, #tpu.memory_space<hbm>> -> memref<128x64xf32, #tpu.memory_space<hbm>>
      %dma_start3A_266 = arith.constant 0 : i32
      %dma_start3A_267 = arith.constant 0 : i32
      %dma_start3A_268 = tpu.memref_slice %arg4[%add3A_258, %dma_start3A_266, %dma_start3A_267] : memref<4096x200x64xf32, #tpu.memory_space<hbm>> -> memref<1x128x64xf32, #tpu.memory_space<hbm>>
      %dma_start3A_269 = tpu.memref_squeeze %dma_start3A_268 : memref<1x128x64xf32, #tpu.memory_space<hbm>> -> memref<128x64xf32, #tpu.memory_space<hbm>>
      %dma_start3A_270 = arith.constant 0 : i32
      %dma_start3A_271 = arith.constant 0 : i32
      %dma_start3A_272 = tpu.memref_slice %arg6[%dma_start3A_270, %dma_start3A_271] : memref<128x128xf32, #tpu.memory_space<vmem>> -> memref<128x64xf32, #tpu.memory_space<vmem>>
      tpu.enqueue_dma source(%dma_start3A_272 : memref<128x64xf32, #tpu.memory_space<vmem>>) target(%dma_start3A_269 : memref<128x64xf32, #tpu.memory_space<hbm>>) target_semaphore(%arg15 : memref<!tpu.dma_semaphore, #tpu.memory_space<semaphore_mem>>)
      %add3A_273 = arith.addi %mul3A_2, %add3A_237 : i32
      %dma_start3A_274 = arith.constant 0 : i32
      %dma_start3A_275 = arith.constant 0 : i32
      %dma_start3A_276 = tpu.memref_slice %arg7[%dma_start3A_274, %dma_start3A_275] : memref<128x128xf32, #tpu.memory_space<vmem>> -> memref<72x64xf32, #tpu.memory_space<vmem>>
      %dma_start3A_277 = arith.constant 128 : i32
      %dma_start3A_278 = arith.constant 0 : i32
      %dma_start3A_279 = tpu.memref_slice %arg4[%add3A_273, %dma_start3A_277, %dma_start3A_278] : memref<4096x200x64xf32, #tpu.memory_space<hbm>> -> memref<1x72x64xf32, #tpu.memory_space<hbm>>
      %dma_start3A_280 = tpu.memref_squeeze %dma_start3A_279 : memref<1x72x64xf32, #tpu.memory_space<hbm>> -> memref<72x64xf32, #tpu.memory_space<hbm>>
      %dma_start3A_281 = arith.constant 128 : i32
      %dma_start3A_282 = arith.constant 0 : i32
      %dma_start3A_283 = tpu.memref_slice %arg4[%add3A_273, %dma_start3A_281, %dma_start3A_282] : memref<4096x200x64xf32, #tpu.memory_space<hbm>> -> memref<1x72x64xf32, #tpu.memory_space<hbm>>
      %dma_start3A_284 = tpu.memref_squeeze %dma_start3A_283 : memref<1x72x64xf32, #tpu.memory_space<hbm>> -> memref<72x64xf32, #tpu.memory_space<hbm>>
      %dma_start3A_285 = arith.constant 0 : i32
      %dma_start3A_286 = arith.constant 0 : i32
      %dma_start3A_287 = tpu.memref_slice %arg7[%dma_start3A_285, %dma_start3A_286] : memref<128x128xf32, #tpu.memory_space<vmem>> -> memref<72x64xf32, #tpu.memory_space<vmem>>
      tpu.enqueue_dma source(%dma_start3A_287 : memref<72x64xf32, #tpu.memory_space<vmem>>) target(%dma_start3A_284 : memref<72x64xf32, #tpu.memory_space<hbm>>) target_semaphore(%arg15 : memref<!tpu.dma_semaphore, #tpu.memory_space<semaphore_mem>>)
      %add3A_288 = arith.addi %mul3A_2, %add3A_237 : i32
      %dma_wait3A_289 = arith.constant 0 : i32
      %dma_wait3A_290 = arith.constant 0 : i32
      %dma_wait3A_291 = tpu.memref_slice %arg6[%dma_wait3A_289, %dma_wait3A_290] : memref<128x128xf32, #tpu.memory_space<vmem>> -> memref<128x64xf32, #tpu.memory_space<vmem>>
      %dma_wait3A_292 = arith.constant 0 : i32
      %dma_wait3A_293 = arith.constant 0 : i32
      %dma_wait3A_294 = tpu.memref_slice %arg4[%add3A_288, %dma_wait3A_292, %dma_wait3A_293] : memref<4096x200x64xf32, #tpu.memory_space<hbm>> -> memref<1x128x64xf32, #tpu.memory_space<hbm>>
      %dma_wait3A_295 = tpu.memref_squeeze %dma_wait3A_294 : memref<1x128x64xf32, #tpu.memory_space<hbm>> -> memref<128x64xf32, #tpu.memory_space<hbm>>
      %dma_wait3A_296 = arith.constant 0 : i32
      %dma_wait3A_297 = arith.constant 0 : i32
      %dma_wait3A_298 = tpu.memref_slice %arg4[%add3A_288, %dma_wait3A_296, %dma_wait3A_297] : memref<4096x200x64xf32, #tpu.memory_space<hbm>> -> memref<1x128x64xf32, #tpu.memory_space<hbm>>
      %dma_wait3A_299 = tpu.memref_squeeze %dma_wait3A_298 : memref<1x128x64xf32, #tpu.memory_space<hbm>> -> memref<128x64xf32, #tpu.memory_space<hbm>>
      %dma_wait3A_300 = arith.constant 0 : i32
      %dma_wait3A_301 = arith.constant 0 : i32
      %dma_wait3A_302 = tpu.memref_slice %arg6[%dma_wait3A_300, %dma_wait3A_301] : memref<128x128xf32, #tpu.memory_space<vmem>> -> memref<128x64xf32, #tpu.memory_space<vmem>>
      tpu.wait_dma2 semaphore(%arg15 : memref<!tpu.dma_semaphore, #tpu.memory_space<semaphore_mem>>) src(%dma_wait3A_302 : memref<128x64xf32, #tpu.memory_space<vmem>>) dst(%dma_wait3A_299 : memref<128x64xf32, #tpu.memory_space<hbm>>)
      %add3A_303 = arith.addi %mul3A_2, %add3A_237 : i32
      %dma_wait3A_304 = arith.constant 0 : i32
      %dma_wait3A_305 = arith.constant 0 : i32
      %dma_wait3A_306 = tpu.memref_slice %arg7[%dma_wait3A_304, %dma_wait3A_305] : memref<128x128xf32, #tpu.memory_space<vmem>> -> memref<72x64xf32, #tpu.memory_space<vmem>>
      %dma_wait3A_307 = arith.constant 128 : i32
      %dma_wait3A_308 = arith.constant 0 : i32
      %dma_wait3A_309 = tpu.memref_slice %arg4[%add3A_303, %dma_wait3A_307, %dma_wait3A_308] : memref<4096x200x64xf32, #tpu.memory_space<hbm>> -> memref<1x72x64xf32, #tpu.memory_space<hbm>>
      %dma_wait3A_310 = tpu.memref_squeeze %dma_wait3A_309 : memref<1x72x64xf32, #tpu.memory_space<hbm>> -> memref<72x64xf32, #tpu.memory_space<hbm>>
      %dma_wait3A_311 = arith.constant 128 : i32
      %dma_wait3A_312 = arith.constant 0 : i32
      %dma_wait3A_313 = tpu.memref_slice %arg4[%add3A_303, %dma_wait3A_311, %dma_wait3A_312] : memref<4096x200x64xf32, #tpu.memory_space<hbm>> -> memref<1x72x64xf32, #tpu.memory_space<hbm>>
      %dma_wait3A_314 = tpu.memref_squeeze %dma_wait3A_313 : memref<1x72x64xf32, #tpu.memory_space<hbm>> -> memref<72x64xf32, #tpu.memory_space<hbm>>
      %dma_wait3A_315 = arith.constant 0 : i32
      %dma_wait3A_316 = arith.constant 0 : i32
      %dma_wait3A_317 = tpu.memref_slice %arg7[%dma_wait3A_315, %dma_wait3A_316] : memref<128x128xf32, #tpu.memory_space<vmem>> -> memref<72x64xf32, #tpu.memory_space<vmem>>
      tpu.wait_dma2 semaphore(%arg15 : memref<!tpu.dma_semaphore, #tpu.memory_space<semaphore_mem>>) src(%dma_wait3A_317 : memref<72x64xf32, #tpu.memory_space<vmem>>) dst(%dma_wait3A_314 : memref<72x64xf32, #tpu.memory_space<hbm>>)
      %add3A_318 = arith.constant 3 : i32
      %add3A_319 = arith.addi %add3A_237, %add3A_318 : i32
      %lt3A = arith.constant 128 : i32
      %lt3A_320 = arith.cmpi slt, %add3A_319, %lt3A : i32
      %convert_element_type3A = arith.extui %lt3A_320 : i1 to i32
      %cond3A = arith.constant 0 : i32
      %cond3A_321 = arith.cmpi ne, %convert_element_type3A, %cond3A : i32
      scf.if %cond3A_321 {
        %add3A_504 = arith.constant 3 : i32
        %add3A_505 = arith.addi %add3A_237, %add3A_504 : i32
        %dma_start3A_506 = arith.constant 0 : i32
        %dma_start3A_507 = arith.constant 0 : i32
        %dma_start3A_508 = tpu.memref_slice %arg6[%dma_start3A_506, %dma_start3A_507] : memref<128x128xf32, #tpu.memory_space<vmem>> -> memref<128x128xf32, #tpu.memory_space<vmem>>
        %dma_start3A_509 = arith.constant 0 : i32
        %dma_start3A_510 = tpu.memref_slice %arg5[%add3A_505, %dma_start3A_509] : memref<128x200xi32, #tpu.memory_space<vmem>> -> memref<1x128xi32, #tpu.memory_space<vmem>>
        %dma_start3A_511 = tpu.memref_squeeze %dma_start3A_510 : memref<1x128xi32, #tpu.memory_space<vmem>> -> memref<128xi32, #tpu.memory_space<vmem>>
        %dma_start3A_512 = arith.constant 0 : i32
        %dma_start3A_513 = arith.constant 0 : i32
        %dma_start3A_514 = tpu.memref_slice %arg3[%dma_start3A_512, %dma_start3A_513] : memref<401408x128xf32, #tpu.memory_space<hbm>> -> memref<401408x128xf32, #tpu.memory_space<hbm>>
        tpu.enqueue_indirect_dma source(%dma_start3A_514 : memref<401408x128xf32, #tpu.memory_space<hbm>>) target(%dma_start3A_508 : memref<128x128xf32, #tpu.memory_space<vmem>>) offsets(%dma_start3A_511 : memref<128xi32, #tpu.memory_space<vmem>>) semaphore(%arg12 : memref<!tpu.dma_semaphore, #tpu.memory_space<semaphore_mem>>)
        %add3A_515 = arith.constant 3 : i32
        %add3A_516 = arith.addi %add3A_237, %add3A_515 : i32
        %dma_start3A_517 = arith.constant 0 : i32
        %dma_start3A_518 = arith.constant 0 : i32
        %dma_start3A_519 = tpu.memref_slice %arg7[%dma_start3A_517, %dma_start3A_518] : memref<128x128xf32, #tpu.memory_space<vmem>> -> memref<72x128xf32, #tpu.memory_space<vmem>>
        %dma_start3A_520 = arith.constant 128 : i32
        %dma_start3A_521 = tpu.memref_slice %arg5[%add3A_516, %dma_start3A_520] : memref<128x200xi32, #tpu.memory_space<vmem>> -> memref<1x72xi32, #tpu.memory_space<vmem>>
        %dma_start3A_522 = tpu.memref_squeeze %dma_start3A_521 : memref<1x72xi32, #tpu.memory_space<vmem>> -> memref<72xi32, #tpu.memory_space<vmem>>
        %dma_start3A_523 = arith.constant 0 : i32
        %dma_start3A_524 = arith.constant 0 : i32
        %dma_start3A_525 = tpu.memref_slice %arg3[%dma_start3A_523, %dma_start3A_524] : memref<401408x128xf32, #tpu.memory_space<hbm>> -> memref<401408x128xf32, #tpu.memory_space<hbm>>
        tpu.enqueue_indirect_dma source(%dma_start3A_525 : memref<401408x128xf32, #tpu.memory_space<hbm>>) target(%dma_start3A_519 : memref<72x128xf32, #tpu.memory_space<vmem>>) offsets(%dma_start3A_522 : memref<72xi32, #tpu.memory_space<vmem>>) semaphore(%arg12 : memref<!tpu.dma_semaphore, #tpu.memory_space<semaphore_mem>>)
      } else {
      }
      %mul3A_322 = arith.constant 3 : i32
      %mul3A_323 = arith.muli %mul3A_322, %scan3A_233 : i32
      %add3A_324 = arith.constant 1 : i32
      %add3A_325 = arith.addi %mul3A_323, %add3A_324 : i32
      %dma_wait3A_326 = arith.constant 0 : i32
      %dma_wait3A_327 = arith.constant 0 : i32
      %dma_wait3A_328 = arith.constant 0 : i32
      %dma_wait3A_329 = tpu.memref_slice %arg8[%dma_wait3A_327, %dma_wait3A_328] : memref<128x128xf32, #tpu.memory_space<vmem>> -> memref<128x128xf32, #tpu.memory_space<vmem>>
      %dma_wait3A_330 = arith.constant 0 : i32
      %dma_wait3A_331 = tpu.memref_slice %arg5[%dma_wait3A_326, %dma_wait3A_330] : memref<128x200xi32, #tpu.memory_space<vmem>> -> memref<1x128xi32, #tpu.memory_space<vmem>>
      %dma_wait3A_332 = tpu.memref_squeeze %dma_wait3A_331 : memref<1x128xi32, #tpu.memory_space<vmem>> -> memref<128xi32, #tpu.memory_space<vmem>>
      %dma_wait3A_333 = arith.constant 0 : i32
      %dma_wait3A_334 = arith.constant 0 : i32
      %dma_wait3A_335 = tpu.memref_slice %arg3[%dma_wait3A_333, %dma_wait3A_334] : memref<401408x128xf32, #tpu.memory_space<hbm>> -> memref<401408x128xf32, #tpu.memory_space<hbm>>
      tpu.wait_indirect_dma semaphore(%arg13 : memref<!tpu.dma_semaphore, #tpu.memory_space<semaphore_mem>>) src(%dma_wait3A_335 : memref<401408x128xf32, #tpu.memory_space<hbm>>) dst(%dma_wait3A_329 : memref<128x128xf32, #tpu.memory_space<vmem>>)
      %dma_wait3A_336 = arith.constant 0 : i32
      %dma_wait3A_337 = arith.constant 0 : i32
      %dma_wait3A_338 = arith.constant 0 : i32
      %dma_wait3A_339 = tpu.memref_slice %arg9[%dma_wait3A_337, %dma_wait3A_338] : memref<128x128xf32, #tpu.memory_space<vmem>> -> memref<72x128xf32, #tpu.memory_space<vmem>>
      %dma_wait3A_340 = arith.constant 128 : i32
      %dma_wait3A_341 = tpu.memref_slice %arg5[%dma_wait3A_336, %dma_wait3A_340] : memref<128x200xi32, #tpu.memory_space<vmem>> -> memref<1x72xi32, #tpu.memory_space<vmem>>
      %dma_wait3A_342 = tpu.memref_squeeze %dma_wait3A_341 : memref<1x72xi32, #tpu.memory_space<vmem>> -> memref<72xi32, #tpu.memory_space<vmem>>
      %dma_wait3A_343 = arith.constant 0 : i32
      %dma_wait3A_344 = arith.constant 0 : i32
      %dma_wait3A_345 = tpu.memref_slice %arg3[%dma_wait3A_343, %dma_wait3A_344] : memref<401408x128xf32, #tpu.memory_space<hbm>> -> memref<401408x128xf32, #tpu.memory_space<hbm>>
      tpu.wait_indirect_dma semaphore(%arg13 : memref<!tpu.dma_semaphore, #tpu.memory_space<semaphore_mem>>) src(%dma_wait3A_345 : memref<401408x128xf32, #tpu.memory_space<hbm>>) dst(%dma_wait3A_339 : memref<72x128xf32, #tpu.memory_space<vmem>>)
      %add3A_346 = arith.addi %mul3A_2, %add3A_325 : i32
      %dma_start3A_347 = arith.constant 0 : i32
      %dma_start3A_348 = arith.constant 0 : i32
      %dma_start3A_349 = tpu.memref_slice %arg8[%dma_start3A_347, %dma_start3A_348] : memref<128x128xf32, #tpu.memory_space<vmem>> -> memref<128x64xf32, #tpu.memory_space<vmem>>
      %dma_start3A_350 = arith.constant 0 : i32
      %dma_start3A_351 = arith.constant 0 : i32
      %dma_start3A_352 = tpu.memref_slice %arg4[%add3A_346, %dma_start3A_350, %dma_start3A_351] : memref<4096x200x64xf32, #tpu.memory_space<hbm>> -> memref<1x128x64xf32, #tpu.memory_space<hbm>>
      %dma_start3A_353 = tpu.memref_squeeze %dma_start3A_352 : memref<1x128x64xf32, #tpu.memory_space<hbm>> -> memref<128x64xf32, #tpu.memory_space<hbm>>
      %dma_start3A_354 = arith.constant 0 : i32
      %dma_start3A_355 = arith.constant 0 : i32
      %dma_start3A_356 = tpu.memref_slice %arg4[%add3A_346, %dma_start3A_354, %dma_start3A_355] : memref<4096x200x64xf32, #tpu.memory_space<hbm>> -> memref<1x128x64xf32, #tpu.memory_space<hbm>>
      %dma_start3A_357 = tpu.memref_squeeze %dma_start3A_356 : memref<1x128x64xf32, #tpu.memory_space<hbm>> -> memref<128x64xf32, #tpu.memory_space<hbm>>
      %dma_start3A_358 = arith.constant 0 : i32
      %dma_start3A_359 = arith.constant 0 : i32
      %dma_start3A_360 = tpu.memref_slice %arg8[%dma_start3A_358, %dma_start3A_359] : memref<128x128xf32, #tpu.memory_space<vmem>> -> memref<128x64xf32, #tpu.memory_space<vmem>>
      tpu.enqueue_dma source(%dma_start3A_360 : memref<128x64xf32, #tpu.memory_space<vmem>>) target(%dma_start3A_357 : memref<128x64xf32, #tpu.memory_space<hbm>>) target_semaphore(%arg16 : memref<!tpu.dma_semaphore, #tpu.memory_space<semaphore_mem>>)
      %add3A_361 = arith.addi %mul3A_2, %add3A_325 : i32
      %dma_start3A_362 = arith.constant 0 : i32
      %dma_start3A_363 = arith.constant 0 : i32
      %dma_start3A_364 = tpu.memref_slice %arg9[%dma_start3A_362, %dma_start3A_363] : memref<128x128xf32, #tpu.memory_space<vmem>> -> memref<72x64xf32, #tpu.memory_space<vmem>>
      %dma_start3A_365 = arith.constant 128 : i32
      %dma_start3A_366 = arith.constant 0 : i32
      %dma_start3A_367 = tpu.memref_slice %arg4[%add3A_361, %dma_start3A_365, %dma_start3A_366] : memref<4096x200x64xf32, #tpu.memory_space<hbm>> -> memref<1x72x64xf32, #tpu.memory_space<hbm>>
      %dma_start3A_368 = tpu.memref_squeeze %dma_start3A_367 : memref<1x72x64xf32, #tpu.memory_space<hbm>> -> memref<72x64xf32, #tpu.memory_space<hbm>>
      %dma_start3A_369 = arith.constant 128 : i32
      %dma_start3A_370 = arith.constant 0 : i32
      %dma_start3A_371 = tpu.memref_slice %arg4[%add3A_361, %dma_start3A_369, %dma_start3A_370] : memref<4096x200x64xf32, #tpu.memory_space<hbm>> -> memref<1x72x64xf32, #tpu.memory_space<hbm>>
      %dma_start3A_372 = tpu.memref_squeeze %dma_start3A_371 : memref<1x72x64xf32, #tpu.memory_space<hbm>> -> memref<72x64xf32, #tpu.memory_space<hbm>>
      %dma_start3A_373 = arith.constant 0 : i32
      %dma_start3A_374 = arith.constant 0 : i32
      %dma_start3A_375 = tpu.memref_slice %arg9[%dma_start3A_373, %dma_start3A_374] : memref<128x128xf32, #tpu.memory_space<vmem>> -> memref<72x64xf32, #tpu.memory_space<vmem>>
      tpu.enqueue_dma source(%dma_start3A_375 : memref<72x64xf32, #tpu.memory_space<vmem>>) target(%dma_start3A_372 : memref<72x64xf32, #tpu.memory_space<hbm>>) target_semaphore(%arg16 : memref<!tpu.dma_semaphore, #tpu.memory_space<semaphore_mem>>)
      %add3A_376 = arith.addi %mul3A_2, %add3A_325 : i32
      %dma_wait3A_377 = arith.constant 0 : i32
      %dma_wait3A_378 = arith.constant 0 : i32
      %dma_wait3A_379 = tpu.memref_slice %arg8[%dma_wait3A_377, %dma_wait3A_378] : memref<128x128xf32, #tpu.memory_space<vmem>> -> memref<128x64xf32, #tpu.memory_space<vmem>>
      %dma_wait3A_380 = arith.constant 0 : i32
      %dma_wait3A_381 = arith.constant 0 : i32
      %dma_wait3A_382 = tpu.memref_slice %arg4[%add3A_376, %dma_wait3A_380, %dma_wait3A_381] : memref<4096x200x64xf32, #tpu.memory_space<hbm>> -> memref<1x128x64xf32, #tpu.memory_space<hbm>>
      %dma_wait3A_383 = tpu.memref_squeeze %dma_wait3A_382 : memref<1x128x64xf32, #tpu.memory_space<hbm>> -> memref<128x64xf32, #tpu.memory_space<hbm>>
      %dma_wait3A_384 = arith.constant 0 : i32
      %dma_wait3A_385 = arith.constant 0 : i32
      %dma_wait3A_386 = tpu.memref_slice %arg4[%add3A_376, %dma_wait3A_384, %dma_wait3A_385] : memref<4096x200x64xf32, #tpu.memory_space<hbm>> -> memref<1x128x64xf32, #tpu.memory_space<hbm>>
      %dma_wait3A_387 = tpu.memref_squeeze %dma_wait3A_386 : memref<1x128x64xf32, #tpu.memory_space<hbm>> -> memref<128x64xf32, #tpu.memory_space<hbm>>
      %dma_wait3A_388 = arith.constant 0 : i32
      %dma_wait3A_389 = arith.constant 0 : i32
      %dma_wait3A_390 = tpu.memref_slice %arg8[%dma_wait3A_388, %dma_wait3A_389] : memref<128x128xf32, #tpu.memory_space<vmem>> -> memref<128x64xf32, #tpu.memory_space<vmem>>
      tpu.wait_dma2 semaphore(%arg16 : memref<!tpu.dma_semaphore, #tpu.memory_space<semaphore_mem>>) src(%dma_wait3A_390 : memref<128x64xf32, #tpu.memory_space<vmem>>) dst(%dma_wait3A_387 : memref<128x64xf32, #tpu.memory_space<hbm>>)
      %add3A_391 = arith.addi %mul3A_2, %add3A_325 : i32
      %dma_wait3A_392 = arith.constant 0 : i32
      %dma_wait3A_393 = arith.constant 0 : i32
      %dma_wait3A_394 = tpu.memref_slice %arg9[%dma_wait3A_392, %dma_wait3A_393] : memref<128x128xf32, #tpu.memory_space<vmem>> -> memref<72x64xf32, #tpu.memory_space<vmem>>
      %dma_wait3A_395 = arith.constant 128 : i32
      %dma_wait3A_396 = arith.constant 0 : i32
      %dma_wait3A_397 = tpu.memref_slice %arg4[%add3A_391, %dma_wait3A_395, %dma_wait3A_396] : memref<4096x200x64xf32, #tpu.memory_space<hbm>> -> memref<1x72x64xf32, #tpu.memory_space<hbm>>
      %dma_wait3A_398 = tpu.memref_squeeze %dma_wait3A_397 : memref<1x72x64xf32, #tpu.memory_space<hbm>> -> memref<72x64xf32, #tpu.memory_space<hbm>>
      %dma_wait3A_399 = arith.constant 128 : i32
      %dma_wait3A_400 = arith.constant 0 : i32
      %dma_wait3A_401 = tpu.memref_slice %arg4[%add3A_391, %dma_wait3A_399, %dma_wait3A_400] : memref<4096x200x64xf32, #tpu.memory_space<hbm>> -> memref<1x72x64xf32, #tpu.memory_space<hbm>>
      %dma_wait3A_402 = tpu.memref_squeeze %dma_wait3A_401 : memref<1x72x64xf32, #tpu.memory_space<hbm>> -> memref<72x64xf32, #tpu.memory_space<hbm>>
      %dma_wait3A_403 = arith.constant 0 : i32
      %dma_wait3A_404 = arith.constant 0 : i32
      %dma_wait3A_405 = tpu.memref_slice %arg9[%dma_wait3A_403, %dma_wait3A_404] : memref<128x128xf32, #tpu.memory_space<vmem>> -> memref<72x64xf32, #tpu.memory_space<vmem>>
      tpu.wait_dma2 semaphore(%arg16 : memref<!tpu.dma_semaphore, #tpu.memory_space<semaphore_mem>>) src(%dma_wait3A_405 : memref<72x64xf32, #tpu.memory_space<vmem>>) dst(%dma_wait3A_402 : memref<72x64xf32, #tpu.memory_space<hbm>>)
      %add3A_406 = arith.constant 3 : i32
      %add3A_407 = arith.addi %add3A_325, %add3A_406 : i32
      %lt3A_408 = arith.constant 128 : i32
      %lt3A_409 = arith.cmpi slt, %add3A_407, %lt3A_408 : i32
      %convert_element_type3A_410 = arith.extui %lt3A_409 : i1 to i32
      %cond3A_411 = arith.constant 0 : i32
      %cond3A_412 = arith.cmpi ne, %convert_element_type3A_410, %cond3A_411 : i32
      scf.if %cond3A_412 {
        %add3A_504 = arith.constant 3 : i32
        %add3A_505 = arith.addi %add3A_325, %add3A_504 : i32
        %dma_start3A_506 = arith.constant 0 : i32
        %dma_start3A_507 = arith.constant 0 : i32
        %dma_start3A_508 = tpu.memref_slice %arg8[%dma_start3A_506, %dma_start3A_507] : memref<128x128xf32, #tpu.memory_space<vmem>> -> memref<128x128xf32, #tpu.memory_space<vmem>>
        %dma_start3A_509 = arith.constant 0 : i32
        %dma_start3A_510 = tpu.memref_slice %arg5[%add3A_505, %dma_start3A_509] : memref<128x200xi32, #tpu.memory_space<vmem>> -> memref<1x128xi32, #tpu.memory_space<vmem>>
        %dma_start3A_511 = tpu.memref_squeeze %dma_start3A_510 : memref<1x128xi32, #tpu.memory_space<vmem>> -> memref<128xi32, #tpu.memory_space<vmem>>
        %dma_start3A_512 = arith.constant 0 : i32
        %dma_start3A_513 = arith.constant 0 : i32
        %dma_start3A_514 = tpu.memref_slice %arg3[%dma_start3A_512, %dma_start3A_513] : memref<401408x128xf32, #tpu.memory_space<hbm>> -> memref<401408x128xf32, #tpu.memory_space<hbm>>
        tpu.enqueue_indirect_dma source(%dma_start3A_514 : memref<401408x128xf32, #tpu.memory_space<hbm>>) target(%dma_start3A_508 : memref<128x128xf32, #tpu.memory_space<vmem>>) offsets(%dma_start3A_511 : memref<128xi32, #tpu.memory_space<vmem>>) semaphore(%arg13 : memref<!tpu.dma_semaphore, #tpu.memory_space<semaphore_mem>>)
        %add3A_515 = arith.constant 3 : i32
        %add3A_516 = arith.addi %add3A_325, %add3A_515 : i32
        %dma_start3A_517 = arith.constant 0 : i32
        %dma_start3A_518 = arith.constant 0 : i32
        %dma_start3A_519 = tpu.memref_slice %arg9[%dma_start3A_517, %dma_start3A_518] : memref<128x128xf32, #tpu.memory_space<vmem>> -> memref<72x128xf32, #tpu.memory_space<vmem>>
        %dma_start3A_520 = arith.constant 128 : i32
        %dma_start3A_521 = tpu.memref_slice %arg5[%add3A_516, %dma_start3A_520] : memref<128x200xi32, #tpu.memory_space<vmem>> -> memref<1x72xi32, #tpu.memory_space<vmem>>
        %dma_start3A_522 = tpu.memref_squeeze %dma_start3A_521 : memref<1x72xi32, #tpu.memory_space<vmem>> -> memref<72xi32, #tpu.memory_space<vmem>>
        %dma_start3A_523 = arith.constant 0 : i32
        %dma_start3A_524 = arith.constant 0 : i32
        %dma_start3A_525 = tpu.memref_slice %arg3[%dma_start3A_523, %dma_start3A_524] : memref<401408x128xf32, #tpu.memory_space<hbm>> -> memref<401408x128xf32, #tpu.memory_space<hbm>>
        tpu.enqueue_indirect_dma source(%dma_start3A_525 : memref<401408x128xf32, #tpu.memory_space<hbm>>) target(%dma_start3A_519 : memref<72x128xf32, #tpu.memory_space<vmem>>) offsets(%dma_start3A_522 : memref<72xi32, #tpu.memory_space<vmem>>) semaphore(%arg13 : memref<!tpu.dma_semaphore, #tpu.memory_space<semaphore_mem>>)
      } else {
      }
      %mul3A_413 = arith.constant 3 : i32
      %mul3A_414 = arith.muli %mul3A_413, %scan3A_233 : i32
      %add3A_415 = arith.constant 2 : i32
      %add3A_416 = arith.addi %mul3A_414, %add3A_415 : i32
      %dma_wait3A_417 = arith.constant 0 : i32
      %dma_wait3A_418 = arith.constant 0 : i32
      %dma_wait3A_419 = arith.constant 0 : i32
      %dma_wait3A_420 = tpu.memref_slice %arg10[%dma_wait3A_418, %dma_wait3A_419] : memref<128x128xf32, #tpu.memory_space<vmem>> -> memref<128x128xf32, #tpu.memory_space<vmem>>
      %dma_wait3A_421 = arith.constant 0 : i32
      %dma_wait3A_422 = tpu.memref_slice %arg5[%dma_wait3A_417, %dma_wait3A_421] : memref<128x200xi32, #tpu.memory_space<vmem>> -> memref<1x128xi32, #tpu.memory_space<vmem>>
      %dma_wait3A_423 = tpu.memref_squeeze %dma_wait3A_422 : memref<1x128xi32, #tpu.memory_space<vmem>> -> memref<128xi32, #tpu.memory_space<vmem>>
      %dma_wait3A_424 = arith.constant 0 : i32
      %dma_wait3A_425 = arith.constant 0 : i32
      %dma_wait3A_426 = tpu.memref_slice %arg3[%dma_wait3A_424, %dma_wait3A_425] : memref<401408x128xf32, #tpu.memory_space<hbm>> -> memref<401408x128xf32, #tpu.memory_space<hbm>>
      tpu.wait_indirect_dma semaphore(%arg14 : memref<!tpu.dma_semaphore, #tpu.memory_space<semaphore_mem>>) src(%dma_wait3A_426 : memref<401408x128xf32, #tpu.memory_space<hbm>>) dst(%dma_wait3A_420 : memref<128x128xf32, #tpu.memory_space<vmem>>)
      %dma_wait3A_427 = arith.constant 0 : i32
      %dma_wait3A_428 = arith.constant 0 : i32
      %dma_wait3A_429 = arith.constant 0 : i32
      %dma_wait3A_430 = tpu.memref_slice %arg11[%dma_wait3A_428, %dma_wait3A_429] : memref<128x128xf32, #tpu.memory_space<vmem>> -> memref<72x128xf32, #tpu.memory_space<vmem>>
      %dma_wait3A_431 = arith.constant 128 : i32
      %dma_wait3A_432 = tpu.memref_slice %arg5[%dma_wait3A_427, %dma_wait3A_431] : memref<128x200xi32, #tpu.memory_space<vmem>> -> memref<1x72xi32, #tpu.memory_space<vmem>>
      %dma_wait3A_433 = tpu.memref_squeeze %dma_wait3A_432 : memref<1x72xi32, #tpu.memory_space<vmem>> -> memref<72xi32, #tpu.memory_space<vmem>>
      %dma_wait3A_434 = arith.constant 0 : i32
      %dma_wait3A_435 = arith.constant 0 : i32
      %dma_wait3A_436 = tpu.memref_slice %arg3[%dma_wait3A_434, %dma_wait3A_435] : memref<401408x128xf32, #tpu.memory_space<hbm>> -> memref<401408x128xf32, #tpu.memory_space<hbm>>
      tpu.wait_indirect_dma semaphore(%arg14 : memref<!tpu.dma_semaphore, #tpu.memory_space<semaphore_mem>>) src(%dma_wait3A_436 : memref<401408x128xf32, #tpu.memory_space<hbm>>) dst(%dma_wait3A_430 : memref<72x128xf32, #tpu.memory_space<vmem>>)
      %add3A_437 = arith.addi %mul3A_2, %add3A_416 : i32
      %dma_start3A_438 = arith.constant 0 : i32
      %dma_start3A_439 = arith.constant 0 : i32
      %dma_start3A_440 = tpu.memref_slice %arg10[%dma_start3A_438, %dma_start3A_439] : memref<128x128xf32, #tpu.memory_space<vmem>> -> memref<128x64xf32, #tpu.memory_space<vmem>>
      %dma_start3A_441 = arith.constant 0 : i32
      %dma_start3A_442 = arith.constant 0 : i32
      %dma_start3A_443 = tpu.memref_slice %arg4[%add3A_437, %dma_start3A_441, %dma_start3A_442] : memref<4096x200x64xf32, #tpu.memory_space<hbm>> -> memref<1x128x64xf32, #tpu.memory_space<hbm>>
      %dma_start3A_444 = tpu.memref_squeeze %dma_start3A_443 : memref<1x128x64xf32, #tpu.memory_space<hbm>> -> memref<128x64xf32, #tpu.memory_space<hbm>>
      %dma_start3A_445 = arith.constant 0 : i32
      %dma_start3A_446 = arith.constant 0 : i32
      %dma_start3A_447 = tpu.memref_slice %arg4[%add3A_437, %dma_start3A_445, %dma_start3A_446] : memref<4096x200x64xf32, #tpu.memory_space<hbm>> -> memref<1x128x64xf32, #tpu.memory_space<hbm>>
      %dma_start3A_448 = tpu.memref_squeeze %dma_start3A_447 : memref<1x128x64xf32, #tpu.memory_space<hbm>> -> memref<128x64xf32, #tpu.memory_space<hbm>>
      %dma_start3A_449 = arith.constant 0 : i32
      %dma_start3A_450 = arith.constant 0 : i32
      %dma_start3A_451 = tpu.memref_slice %arg10[%dma_start3A_449, %dma_start3A_450] : memref<128x128xf32, #tpu.memory_space<vmem>> -> memref<128x64xf32, #tpu.memory_space<vmem>>
      tpu.enqueue_dma source(%dma_start3A_451 : memref<128x64xf32, #tpu.memory_space<vmem>>) target(%dma_start3A_448 : memref<128x64xf32, #tpu.memory_space<hbm>>) target_semaphore(%arg17 : memref<!tpu.dma_semaphore, #tpu.memory_space<semaphore_mem>>)
      %add3A_452 = arith.addi %mul3A_2, %add3A_416 : i32
      %dma_start3A_453 = arith.constant 0 : i32
      %dma_start3A_454 = arith.constant 0 : i32
      %dma_start3A_455 = tpu.memref_slice %arg11[%dma_start3A_453, %dma_start3A_454] : memref<128x128xf32, #tpu.memory_space<vmem>> -> memref<72x64xf32, #tpu.memory_space<vmem>>
      %dma_start3A_456 = arith.constant 128 : i32
      %dma_start3A_457 = arith.constant 0 : i32
      %dma_start3A_458 = tpu.memref_slice %arg4[%add3A_452, %dma_start3A_456, %dma_start3A_457] : memref<4096x200x64xf32, #tpu.memory_space<hbm>> -> memref<1x72x64xf32, #tpu.memory_space<hbm>>
      %dma_start3A_459 = tpu.memref_squeeze %dma_start3A_458 : memref<1x72x64xf32, #tpu.memory_space<hbm>> -> memref<72x64xf32, #tpu.memory_space<hbm>>
      %dma_start3A_460 = arith.constant 128 : i32
      %dma_start3A_461 = arith.constant 0 : i32
      %dma_start3A_462 = tpu.memref_slice %arg4[%add3A_452, %dma_start3A_460, %dma_start3A_461] : memref<4096x200x64xf32, #tpu.memory_space<hbm>> -> memref<1x72x64xf32, #tpu.memory_space<hbm>>
      %dma_start3A_463 = tpu.memref_squeeze %dma_start3A_462 : memref<1x72x64xf32, #tpu.memory_space<hbm>> -> memref<72x64xf32, #tpu.memory_space<hbm>>
      %dma_start3A_464 = arith.constant 0 : i32
      %dma_start3A_465 = arith.constant 0 : i32
      %dma_start3A_466 = tpu.memref_slice %arg11[%dma_start3A_464, %dma_start3A_465] : memref<128x128xf32, #tpu.memory_space<vmem>> -> memref<72x64xf32, #tpu.memory_space<vmem>>
      tpu.enqueue_dma source(%dma_start3A_466 : memref<72x64xf32, #tpu.memory_space<vmem>>) target(%dma_start3A_463 : memref<72x64xf32, #tpu.memory_space<hbm>>) target_semaphore(%arg17 : memref<!tpu.dma_semaphore, #tpu.memory_space<semaphore_mem>>)
      %add3A_467 = arith.addi %mul3A_2, %add3A_416 : i32
      %dma_wait3A_468 = arith.constant 0 : i32
      %dma_wait3A_469 = arith.constant 0 : i32
      %dma_wait3A_470 = tpu.memref_slice %arg10[%dma_wait3A_468, %dma_wait3A_469] : memref<128x128xf32, #tpu.memory_space<vmem>> -> memref<128x64xf32, #tpu.memory_space<vmem>>
      %dma_wait3A_471 = arith.constant 0 : i32
      %dma_wait3A_472 = arith.constant 0 : i32
      %dma_wait3A_473 = tpu.memref_slice %arg4[%add3A_467, %dma_wait3A_471, %dma_wait3A_472] : memref<4096x200x64xf32, #tpu.memory_space<hbm>> -> memref<1x128x64xf32, #tpu.memory_space<hbm>>
      %dma_wait3A_474 = tpu.memref_squeeze %dma_wait3A_473 : memref<1x128x64xf32, #tpu.memory_space<hbm>> -> memref<128x64xf32, #tpu.memory_space<hbm>>
      %dma_wait3A_475 = arith.constant 0 : i32
      %dma_wait3A_476 = arith.constant 0 : i32
      %dma_wait3A_477 = tpu.memref_slice %arg4[%add3A_467, %dma_wait3A_475, %dma_wait3A_476] : memref<4096x200x64xf32, #tpu.memory_space<hbm>> -> memref<1x128x64xf32, #tpu.memory_space<hbm>>
      %dma_wait3A_478 = tpu.memref_squeeze %dma_wait3A_477 : memref<1x128x64xf32, #tpu.memory_space<hbm>> -> memref<128x64xf32, #tpu.memory_space<hbm>>
      %dma_wait3A_479 = arith.constant 0 : i32
      %dma_wait3A_480 = arith.constant 0 : i32
      %dma_wait3A_481 = tpu.memref_slice %arg10[%dma_wait3A_479, %dma_wait3A_480] : memref<128x128xf32, #tpu.memory_space<vmem>> -> memref<128x64xf32, #tpu.memory_space<vmem>>
      tpu.wait_dma2 semaphore(%arg17 : memref<!tpu.dma_semaphore, #tpu.memory_space<semaphore_mem>>) src(%dma_wait3A_481 : memref<128x64xf32, #tpu.memory_space<vmem>>) dst(%dma_wait3A_478 : memref<128x64xf32, #tpu.memory_space<hbm>>)
      %add3A_482 = arith.addi %mul3A_2, %add3A_416 : i32
      %dma_wait3A_483 = arith.constant 0 : i32
      %dma_wait3A_484 = arith.constant 0 : i32
      %dma_wait3A_485 = tpu.memref_slice %arg11[%dma_wait3A_483, %dma_wait3A_484] : memref<128x128xf32, #tpu.memory_space<vmem>> -> memref<72x64xf32, #tpu.memory_space<vmem>>
      %dma_wait3A_486 = arith.constant 128 : i32
      %dma_wait3A_487 = arith.constant 0 : i32
      %dma_wait3A_488 = tpu.memref_slice %arg4[%add3A_482, %dma_wait3A_486, %dma_wait3A_487] : memref<4096x200x64xf32, #tpu.memory_space<hbm>> -> memref<1x72x64xf32, #tpu.memory_space<hbm>>
      %dma_wait3A_489 = tpu.memref_squeeze %dma_wait3A_488 : memref<1x72x64xf32, #tpu.memory_space<hbm>> -> memref<72x64xf32, #tpu.memory_space<hbm>>
      %dma_wait3A_490 = arith.constant 128 : i32
      %dma_wait3A_491 = arith.constant 0 : i32
      %dma_wait3A_492 = tpu.memref_slice %arg4[%add3A_482, %dma_wait3A_490, %dma_wait3A_491] : memref<4096x200x64xf32, #tpu.memory_space<hbm>> -> memref<1x72x64xf32, #tpu.memory_space<hbm>>
      %dma_wait3A_493 = tpu.memref_squeeze %dma_wait3A_492 : memref<1x72x64xf32, #tpu.memory_space<hbm>> -> memref<72x64xf32, #tpu.memory_space<hbm>>
      %dma_wait3A_494 = arith.constant 0 : i32
      %dma_wait3A_495 = arith.constant 0 : i32
      %dma_wait3A_496 = tpu.memref_slice %arg11[%dma_wait3A_494, %dma_wait3A_495] : memref<128x128xf32, #tpu.memory_space<vmem>> -> memref<72x64xf32, #tpu.memory_space<vmem>>
      tpu.wait_dma2 semaphore(%arg17 : memref<!tpu.dma_semaphore, #tpu.memory_space<semaphore_mem>>) src(%dma_wait3A_496 : memref<72x64xf32, #tpu.memory_space<vmem>>) dst(%dma_wait3A_493 : memref<72x64xf32, #tpu.memory_space<hbm>>)
      %add3A_497 = arith.constant 3 : i32
      %add3A_498 = arith.addi %add3A_416, %add3A_497 : i32
      %lt3A_499 = arith.constant 128 : i32
      %lt3A_500 = arith.cmpi slt, %add3A_498, %lt3A_499 : i32
      %convert_element_type3A_501 = arith.extui %lt3A_500 : i1 to i32
      %cond3A_502 = arith.constant 0 : i32
      %cond3A_503 = arith.cmpi ne, %convert_element_type3A_501, %cond3A_502 : i32
      scf.if %cond3A_503 {
        %add3A_504 = arith.constant 3 : i32
        %add3A_505 = arith.addi %add3A_416, %add3A_504 : i32
        %dma_start3A_506 = arith.constant 0 : i32
        %dma_start3A_507 = arith.constant 0 : i32
        %dma_start3A_508 = tpu.memref_slice %arg10[%dma_start3A_506, %dma_start3A_507] : memref<128x128xf32, #tpu.memory_space<vmem>> -> memref<128x128xf32, #tpu.memory_space<vmem>>
        %dma_start3A_509 = arith.constant 0 : i32
        %dma_start3A_510 = tpu.memref_slice %arg5[%add3A_505, %dma_start3A_509] : memref<128x200xi32, #tpu.memory_space<vmem>> -> memref<1x128xi32, #tpu.memory_space<vmem>>
        %dma_start3A_511 = tpu.memref_squeeze %dma_start3A_510 : memref<1x128xi32, #tpu.memory_space<vmem>> -> memref<128xi32, #tpu.memory_space<vmem>>
        %dma_start3A_512 = arith.constant 0 : i32
        %dma_start3A_513 = arith.constant 0 : i32
        %dma_start3A_514 = tpu.memref_slice %arg3[%dma_start3A_512, %dma_start3A_513] : memref<401408x128xf32, #tpu.memory_space<hbm>> -> memref<401408x128xf32, #tpu.memory_space<hbm>>
        tpu.enqueue_indirect_dma source(%dma_start3A_514 : memref<401408x128xf32, #tpu.memory_space<hbm>>) target(%dma_start3A_508 : memref<128x128xf32, #tpu.memory_space<vmem>>) offsets(%dma_start3A_511 : memref<128xi32, #tpu.memory_space<vmem>>) semaphore(%arg14 : memref<!tpu.dma_semaphore, #tpu.memory_space<semaphore_mem>>)
        %add3A_515 = arith.constant 3 : i32
        %add3A_516 = arith.addi %add3A_416, %add3A_515 : i32
        %dma_start3A_517 = arith.constant 0 : i32
        %dma_start3A_518 = arith.constant 0 : i32
        %dma_start3A_519 = tpu.memref_slice %arg11[%dma_start3A_517, %dma_start3A_518] : memref<128x128xf32, #tpu.memory_space<vmem>> -> memref<72x128xf32, #tpu.memory_space<vmem>>
        %dma_start3A_520 = arith.constant 128 : i32
        %dma_start3A_521 = tpu.memref_slice %arg5[%add3A_516, %dma_start3A_520] : memref<128x200xi32, #tpu.memory_space<vmem>> -> memref<1x72xi32, #tpu.memory_space<vmem>>
        %dma_start3A_522 = tpu.memref_squeeze %dma_start3A_521 : memref<1x72xi32, #tpu.memory_space<vmem>> -> memref<72xi32, #tpu.memory_space<vmem>>
        %dma_start3A_523 = arith.constant 0 : i32
        %dma_start3A_524 = arith.constant 0 : i32
        %dma_start3A_525 = tpu.memref_slice %arg3[%dma_start3A_523, %dma_start3A_524] : memref<401408x128xf32, #tpu.memory_space<hbm>> -> memref<401408x128xf32, #tpu.memory_space<hbm>>
        tpu.enqueue_indirect_dma source(%dma_start3A_525 : memref<401408x128xf32, #tpu.memory_space<hbm>>) target(%dma_start3A_519 : memref<72x128xf32, #tpu.memory_space<vmem>>) offsets(%dma_start3A_522 : memref<72xi32, #tpu.memory_space<vmem>>) semaphore(%arg14 : memref<!tpu.dma_semaphore, #tpu.memory_space<semaphore_mem>>)
      } else {
      }
    }
    %scan3A_65 = arith.constant 42 : i32
    %dma_wait3A = arith.constant 0 : i32
    %dma_wait3A_66 = arith.constant 0 : i32
    %dma_wait3A_67 = arith.constant 0 : i32
    %dma_wait3A_68 = tpu.memref_slice %arg6[%dma_wait3A_66, %dma_wait3A_67] : memref<128x128xf32, #tpu.memory_space<vmem>> -> memref<128x128xf32, #tpu.memory_space<vmem>>
    %dma_wait3A_69 = arith.constant 0 : i32
    %dma_wait3A_70 = tpu.memref_slice %arg5[%dma_wait3A, %dma_wait3A_69] : memref<128x200xi32, #tpu.memory_space<vmem>> -> memref<1x128xi32, #tpu.memory_space<vmem>>
    %dma_wait3A_71 = tpu.memref_squeeze %dma_wait3A_70 : memref<1x128xi32, #tpu.memory_space<vmem>> -> memref<128xi32, #tpu.memory_space<vmem>>
    %dma_wait3A_72 = arith.constant 0 : i32
    %dma_wait3A_73 = arith.constant 0 : i32
    %dma_wait3A_74 = tpu.memref_slice %arg3[%dma_wait3A_72, %dma_wait3A_73] : memref<401408x128xf32, #tpu.memory_space<hbm>> -> memref<401408x128xf32, #tpu.memory_space<hbm>>
    tpu.wait_indirect_dma semaphore(%arg12 : memref<!tpu.dma_semaphore, #tpu.memory_space<semaphore_mem>>) src(%dma_wait3A_74 : memref<401408x128xf32, #tpu.memory_space<hbm>>) dst(%dma_wait3A_68 : memref<128x128xf32, #tpu.memory_space<vmem>>)
    %dma_wait3A_75 = arith.constant 0 : i32
    %dma_wait3A_76 = arith.constant 0 : i32
    %dma_wait3A_77 = arith.constant 0 : i32
    %dma_wait3A_78 = tpu.memref_slice %arg7[%dma_wait3A_76, %dma_wait3A_77] : memref<128x128xf32, #tpu.memory_space<vmem>> -> memref<72x128xf32, #tpu.memory_space<vmem>>
    %dma_wait3A_79 = arith.constant 128 : i32
    %dma_wait3A_80 = tpu.memref_slice %arg5[%dma_wait3A_75, %dma_wait3A_79] : memref<128x200xi32, #tpu.memory_space<vmem>> -> memref<1x72xi32, #tpu.memory_space<vmem>>
    %dma_wait3A_81 = tpu.memref_squeeze %dma_wait3A_80 : memref<1x72xi32, #tpu.memory_space<vmem>> -> memref<72xi32, #tpu.memory_space<vmem>>
    %dma_wait3A_82 = arith.constant 0 : i32
    %dma_wait3A_83 = arith.constant 0 : i32
    %dma_wait3A_84 = tpu.memref_slice %arg3[%dma_wait3A_82, %dma_wait3A_83] : memref<401408x128xf32, #tpu.memory_space<hbm>> -> memref<401408x128xf32, #tpu.memory_space<hbm>>
    tpu.wait_indirect_dma semaphore(%arg12 : memref<!tpu.dma_semaphore, #tpu.memory_space<semaphore_mem>>) src(%dma_wait3A_84 : memref<401408x128xf32, #tpu.memory_space<hbm>>) dst(%dma_wait3A_78 : memref<72x128xf32, #tpu.memory_space<vmem>>)
    %add3A_85 = arith.constant 126 : i32
    %add3A_86 = arith.addi %mul3A_2, %add3A_85 : i32
    %dma_start3A_87 = arith.constant 0 : i32
    %dma_start3A_88 = arith.constant 0 : i32
    %dma_start3A_89 = tpu.memref_slice %arg6[%dma_start3A_87, %dma_start3A_88] : memref<128x128xf32, #tpu.memory_space<vmem>> -> memref<128x64xf32, #tpu.memory_space<vmem>>
    %dma_start3A_90 = arith.constant 0 : i32
    %dma_start3A_91 = arith.constant 0 : i32
    %dma_start3A_92 = tpu.memref_slice %arg4[%add3A_86, %dma_start3A_90, %dma_start3A_91] : memref<4096x200x64xf32, #tpu.memory_space<hbm>> -> memref<1x128x64xf32, #tpu.memory_space<hbm>>
    %dma_start3A_93 = tpu.memref_squeeze %dma_start3A_92 : memref<1x128x64xf32, #tpu.memory_space<hbm>> -> memref<128x64xf32, #tpu.memory_space<hbm>>
    %dma_start3A_94 = arith.constant 0 : i32
    %dma_start3A_95 = arith.constant 0 : i32
    %dma_start3A_96 = tpu.memref_slice %arg4[%add3A_86, %dma_start3A_94, %dma_start3A_95] : memref<4096x200x64xf32, #tpu.memory_space<hbm>> -> memref<1x128x64xf32, #tpu.memory_space<hbm>>
    %dma_start3A_97 = tpu.memref_squeeze %dma_start3A_96 : memref<1x128x64xf32, #tpu.memory_space<hbm>> -> memref<128x64xf32, #tpu.memory_space<hbm>>
    %dma_start3A_98 = arith.constant 0 : i32
    %dma_start3A_99 = arith.constant 0 : i32
    %dma_start3A_100 = tpu.memref_slice %arg6[%dma_start3A_98, %dma_start3A_99] : memref<128x128xf32, #tpu.memory_space<vmem>> -> memref<128x64xf32, #tpu.memory_space<vmem>>
    tpu.enqueue_dma source(%dma_start3A_100 : memref<128x64xf32, #tpu.memory_space<vmem>>) target(%dma_start3A_97 : memref<128x64xf32, #tpu.memory_space<hbm>>) target_semaphore(%arg15 : memref<!tpu.dma_semaphore, #tpu.memory_space<semaphore_mem>>)
    %add3A_101 = arith.constant 126 : i32
    %add3A_102 = arith.addi %mul3A_2, %add3A_101 : i32
    %dma_start3A_103 = arith.constant 0 : i32
    %dma_start3A_104 = arith.constant 0 : i32
    %dma_start3A_105 = tpu.memref_slice %arg7[%dma_start3A_103, %dma_start3A_104] : memref<128x128xf32, #tpu.memory_space<vmem>> -> memref<72x64xf32, #tpu.memory_space<vmem>>
    %dma_start3A_106 = arith.constant 128 : i32
    %dma_start3A_107 = arith.constant 0 : i32
    %dma_start3A_108 = tpu.memref_slice %arg4[%add3A_102, %dma_start3A_106, %dma_start3A_107] : memref<4096x200x64xf32, #tpu.memory_space<hbm>> -> memref<1x72x64xf32, #tpu.memory_space<hbm>>
    %dma_start3A_109 = tpu.memref_squeeze %dma_start3A_108 : memref<1x72x64xf32, #tpu.memory_space<hbm>> -> memref<72x64xf32, #tpu.memory_space<hbm>>
    %dma_start3A_110 = arith.constant 128 : i32
    %dma_start3A_111 = arith.constant 0 : i32
    %dma_start3A_112 = tpu.memref_slice %arg4[%add3A_102, %dma_start3A_110, %dma_start3A_111] : memref<4096x200x64xf32, #tpu.memory_space<hbm>> -> memref<1x72x64xf32, #tpu.memory_space<hbm>>
    %dma_start3A_113 = tpu.memref_squeeze %dma_start3A_112 : memref<1x72x64xf32, #tpu.memory_space<hbm>> -> memref<72x64xf32, #tpu.memory_space<hbm>>
    %dma_start3A_114 = arith.constant 0 : i32
    %dma_start3A_115 = arith.constant 0 : i32
    %dma_start3A_116 = tpu.memref_slice %arg7[%dma_start3A_114, %dma_start3A_115] : memref<128x128xf32, #tpu.memory_space<vmem>> -> memref<72x64xf32, #tpu.memory_space<vmem>>
    tpu.enqueue_dma source(%dma_start3A_116 : memref<72x64xf32, #tpu.memory_space<vmem>>) target(%dma_start3A_113 : memref<72x64xf32, #tpu.memory_space<hbm>>) target_semaphore(%arg15 : memref<!tpu.dma_semaphore, #tpu.memory_space<semaphore_mem>>)
    %add3A_117 = arith.constant 126 : i32
    %add3A_118 = arith.addi %mul3A_2, %add3A_117 : i32
    %dma_wait3A_119 = arith.constant 0 : i32
    %dma_wait3A_120 = arith.constant 0 : i32
    %dma_wait3A_121 = tpu.memref_slice %arg6[%dma_wait3A_119, %dma_wait3A_120] : memref<128x128xf32, #tpu.memory_space<vmem>> -> memref<128x64xf32, #tpu.memory_space<vmem>>
    %dma_wait3A_122 = arith.constant 0 : i32
    %dma_wait3A_123 = arith.constant 0 : i32
    %dma_wait3A_124 = tpu.memref_slice %arg4[%add3A_118, %dma_wait3A_122, %dma_wait3A_123] : memref<4096x200x64xf32, #tpu.memory_space<hbm>> -> memref<1x128x64xf32, #tpu.memory_space<hbm>>
    %dma_wait3A_125 = tpu.memref_squeeze %dma_wait3A_124 : memref<1x128x64xf32, #tpu.memory_space<hbm>> -> memref<128x64xf32, #tpu.memory_space<hbm>>
    %dma_wait3A_126 = arith.constant 0 : i32
    %dma_wait3A_127 = arith.constant 0 : i32
    %dma_wait3A_128 = tpu.memref_slice %arg4[%add3A_118, %dma_wait3A_126, %dma_wait3A_127] : memref<4096x200x64xf32, #tpu.memory_space<hbm>> -> memref<1x128x64xf32, #tpu.memory_space<hbm>>
    %dma_wait3A_129 = tpu.memref_squeeze %dma_wait3A_128 : memref<1x128x64xf32, #tpu.memory_space<hbm>> -> memref<128x64xf32, #tpu.memory_space<hbm>>
    %dma_wait3A_130 = arith.constant 0 : i32
    %dma_wait3A_131 = arith.constant 0 : i32
    %dma_wait3A_132 = tpu.memref_slice %arg6[%dma_wait3A_130, %dma_wait3A_131] : memref<128x128xf32, #tpu.memory_space<vmem>> -> memref<128x64xf32, #tpu.memory_space<vmem>>
    tpu.wait_dma2 semaphore(%arg15 : memref<!tpu.dma_semaphore, #tpu.memory_space<semaphore_mem>>) src(%dma_wait3A_132 : memref<128x64xf32, #tpu.memory_space<vmem>>) dst(%dma_wait3A_129 : memref<128x64xf32, #tpu.memory_space<hbm>>)
    %add3A_133 = arith.constant 126 : i32
    %add3A_134 = arith.addi %mul3A_2, %add3A_133 : i32
    %dma_wait3A_135 = arith.constant 0 : i32
    %dma_wait3A_136 = arith.constant 0 : i32
    %dma_wait3A_137 = tpu.memref_slice %arg7[%dma_wait3A_135, %dma_wait3A_136] : memref<128x128xf32, #tpu.memory_space<vmem>> -> memref<72x64xf32, #tpu.memory_space<vmem>>
    %dma_wait3A_138 = arith.constant 128 : i32
    %dma_wait3A_139 = arith.constant 0 : i32
    %dma_wait3A_140 = tpu.memref_slice %arg4[%add3A_134, %dma_wait3A_138, %dma_wait3A_139] : memref<4096x200x64xf32, #tpu.memory_space<hbm>> -> memref<1x72x64xf32, #tpu.memory_space<hbm>>
    %dma_wait3A_141 = tpu.memref_squeeze %dma_wait3A_140 : memref<1x72x64xf32, #tpu.memory_space<hbm>> -> memref<72x64xf32, #tpu.memory_space<hbm>>
    %dma_wait3A_142 = arith.constant 128 : i32
    %dma_wait3A_143 = arith.constant 0 : i32
    %dma_wait3A_144 = tpu.memref_slice %arg4[%add3A_134, %dma_wait3A_142, %dma_wait3A_143] : memref<4096x200x64xf32, #tpu.memory_space<hbm>> -> memref<1x72x64xf32, #tpu.memory_space<hbm>>
    %dma_wait3A_145 = tpu.memref_squeeze %dma_wait3A_144 : memref<1x72x64xf32, #tpu.memory_space<hbm>> -> memref<72x64xf32, #tpu.memory_space<hbm>>
    %dma_wait3A_146 = arith.constant 0 : i32
    %dma_wait3A_147 = arith.constant 0 : i32
    %dma_wait3A_148 = tpu.memref_slice %arg7[%dma_wait3A_146, %dma_wait3A_147] : memref<128x128xf32, #tpu.memory_space<vmem>> -> memref<72x64xf32, #tpu.memory_space<vmem>>
    tpu.wait_dma2 semaphore(%arg15 : memref<!tpu.dma_semaphore, #tpu.memory_space<semaphore_mem>>) src(%dma_wait3A_148 : memref<72x64xf32, #tpu.memory_space<vmem>>) dst(%dma_wait3A_145 : memref<72x64xf32, #tpu.memory_space<hbm>>)
    %dma_wait3A_149 = arith.constant 0 : i32
    %dma_wait3A_150 = arith.constant 0 : i32
    %dma_wait3A_151 = arith.constant 0 : i32
    %dma_wait3A_152 = tpu.memref_slice %arg8[%dma_wait3A_150, %dma_wait3A_151] : memref<128x128xf32, #tpu.memory_space<vmem>> -> memref<128x128xf32, #tpu.memory_space<vmem>>
    %dma_wait3A_153 = arith.constant 0 : i32
    %dma_wait3A_154 = tpu.memref_slice %arg5[%dma_wait3A_149, %dma_wait3A_153] : memref<128x200xi32, #tpu.memory_space<vmem>> -> memref<1x128xi32, #tpu.memory_space<vmem>>
    %dma_wait3A_155 = tpu.memref_squeeze %dma_wait3A_154 : memref<1x128xi32, #tpu.memory_space<vmem>> -> memref<128xi32, #tpu.memory_space<vmem>>
    %dma_wait3A_156 = arith.constant 0 : i32
    %dma_wait3A_157 = arith.constant 0 : i32
    %dma_wait3A_158 = tpu.memref_slice %arg3[%dma_wait3A_156, %dma_wait3A_157] : memref<401408x128xf32, #tpu.memory_space<hbm>> -> memref<401408x128xf32, #tpu.memory_space<hbm>>
    tpu.wait_indirect_dma semaphore(%arg13 : memref<!tpu.dma_semaphore, #tpu.memory_space<semaphore_mem>>) src(%dma_wait3A_158 : memref<401408x128xf32, #tpu.memory_space<hbm>>) dst(%dma_wait3A_152 : memref<128x128xf32, #tpu.memory_space<vmem>>)
    %dma_wait3A_159 = arith.constant 0 : i32
    %dma_wait3A_160 = arith.constant 0 : i32
    %dma_wait3A_161 = arith.constant 0 : i32
    %dma_wait3A_162 = tpu.memref_slice %arg9[%dma_wait3A_160, %dma_wait3A_161] : memref<128x128xf32, #tpu.memory_space<vmem>> -> memref<72x128xf32, #tpu.memory_space<vmem>>
    %dma_wait3A_163 = arith.constant 128 : i32
    %dma_wait3A_164 = tpu.memref_slice %arg5[%dma_wait3A_159, %dma_wait3A_163] : memref<128x200xi32, #tpu.memory_space<vmem>> -> memref<1x72xi32, #tpu.memory_space<vmem>>
    %dma_wait3A_165 = tpu.memref_squeeze %dma_wait3A_164 : memref<1x72xi32, #tpu.memory_space<vmem>> -> memref<72xi32, #tpu.memory_space<vmem>>
    %dma_wait3A_166 = arith.constant 0 : i32
    %dma_wait3A_167 = arith.constant 0 : i32
    %dma_wait3A_168 = tpu.memref_slice %arg3[%dma_wait3A_166, %dma_wait3A_167] : memref<401408x128xf32, #tpu.memory_space<hbm>> -> memref<401408x128xf32, #tpu.memory_space<hbm>>
    tpu.wait_indirect_dma semaphore(%arg13 : memref<!tpu.dma_semaphore, #tpu.memory_space<semaphore_mem>>) src(%dma_wait3A_168 : memref<401408x128xf32, #tpu.memory_space<hbm>>) dst(%dma_wait3A_162 : memref<72x128xf32, #tpu.memory_space<vmem>>)
    %add3A_169 = arith.constant 127 : i32
    %add3A_170 = arith.addi %mul3A_2, %add3A_169 : i32
    %dma_start3A_171 = arith.constant 0 : i32
    %dma_start3A_172 = arith.constant 0 : i32
    %dma_start3A_173 = tpu.memref_slice %arg8[%dma_start3A_171, %dma_start3A_172] : memref<128x128xf32, #tpu.memory_space<vmem>> -> memref<128x64xf32, #tpu.memory_space<vmem>>
    %dma_start3A_174 = arith.constant 0 : i32
    %dma_start3A_175 = arith.constant 0 : i32
    %dma_start3A_176 = tpu.memref_slice %arg4[%add3A_170, %dma_start3A_174, %dma_start3A_175] : memref<4096x200x64xf32, #tpu.memory_space<hbm>> -> memref<1x128x64xf32, #tpu.memory_space<hbm>>
    %dma_start3A_177 = tpu.memref_squeeze %dma_start3A_176 : memref<1x128x64xf32, #tpu.memory_space<hbm>> -> memref<128x64xf32, #tpu.memory_space<hbm>>
    %dma_start3A_178 = arith.constant 0 : i32
    %dma_start3A_179 = arith.constant 0 : i32
    %dma_start3A_180 = tpu.memref_slice %arg4[%add3A_170, %dma_start3A_178, %dma_start3A_179] : memref<4096x200x64xf32, #tpu.memory_space<hbm>> -> memref<1x128x64xf32, #tpu.memory_space<hbm>>
    %dma_start3A_181 = tpu.memref_squeeze %dma_start3A_180 : memref<1x128x64xf32, #tpu.memory_space<hbm>> -> memref<128x64xf32, #tpu.memory_space<hbm>>
    %dma_start3A_182 = arith.constant 0 : i32
    %dma_start3A_183 = arith.constant 0 : i32
    %dma_start3A_184 = tpu.memref_slice %arg8[%dma_start3A_182, %dma_start3A_183] : memref<128x128xf32, #tpu.memory_space<vmem>> -> memref<128x64xf32, #tpu.memory_space<vmem>>
    tpu.enqueue_dma source(%dma_start3A_184 : memref<128x64xf32, #tpu.memory_space<vmem>>) target(%dma_start3A_181 : memref<128x64xf32, #tpu.memory_space<hbm>>) target_semaphore(%arg16 : memref<!tpu.dma_semaphore, #tpu.memory_space<semaphore_mem>>)
    %add3A_185 = arith.constant 127 : i32
    %add3A_186 = arith.addi %mul3A_2, %add3A_185 : i32
    %dma_start3A_187 = arith.constant 0 : i32
    %dma_start3A_188 = arith.constant 0 : i32
    %dma_start3A_189 = tpu.memref_slice %arg9[%dma_start3A_187, %dma_start3A_188] : memref<128x128xf32, #tpu.memory_space<vmem>> -> memref<72x64xf32, #tpu.memory_space<vmem>>
    %dma_start3A_190 = arith.constant 128 : i32
    %dma_start3A_191 = arith.constant 0 : i32
    %dma_start3A_192 = tpu.memref_slice %arg4[%add3A_186, %dma_start3A_190, %dma_start3A_191] : memref<4096x200x64xf32, #tpu.memory_space<hbm>> -> memref<1x72x64xf32, #tpu.memory_space<hbm>>
    %dma_start3A_193 = tpu.memref_squeeze %dma_start3A_192 : memref<1x72x64xf32, #tpu.memory_space<hbm>> -> memref<72x64xf32, #tpu.memory_space<hbm>>
    %dma_start3A_194 = arith.constant 128 : i32
    %dma_start3A_195 = arith.constant 0 : i32
    %dma_start3A_196 = tpu.memref_slice %arg4[%add3A_186, %dma_start3A_194, %dma_start3A_195] : memref<4096x200x64xf32, #tpu.memory_space<hbm>> -> memref<1x72x64xf32, #tpu.memory_space<hbm>>
    %dma_start3A_197 = tpu.memref_squeeze %dma_start3A_196 : memref<1x72x64xf32, #tpu.memory_space<hbm>> -> memref<72x64xf32, #tpu.memory_space<hbm>>
    %dma_start3A_198 = arith.constant 0 : i32
    %dma_start3A_199 = arith.constant 0 : i32
    %dma_start3A_200 = tpu.memref_slice %arg9[%dma_start3A_198, %dma_start3A_199] : memref<128x128xf32, #tpu.memory_space<vmem>> -> memref<72x64xf32, #tpu.memory_space<vmem>>
    tpu.enqueue_dma source(%dma_start3A_200 : memref<72x64xf32, #tpu.memory_space<vmem>>) target(%dma_start3A_197 : memref<72x64xf32, #tpu.memory_space<hbm>>) target_semaphore(%arg16 : memref<!tpu.dma_semaphore, #tpu.memory_space<semaphore_mem>>)
    %add3A_201 = arith.constant 127 : i32
    %add3A_202 = arith.addi %mul3A_2, %add3A_201 : i32
    %dma_wait3A_203 = arith.constant 0 : i32
    %dma_wait3A_204 = arith.constant 0 : i32
    %dma_wait3A_205 = tpu.memref_slice %arg8[%dma_wait3A_203, %dma_wait3A_204] : memref<128x128xf32, #tpu.memory_space<vmem>> -> memref<128x64xf32, #tpu.memory_space<vmem>>
    %dma_wait3A_206 = arith.constant 0 : i32
    %dma_wait3A_207 = arith.constant 0 : i32
    %dma_wait3A_208 = tpu.memref_slice %arg4[%add3A_202, %dma_wait3A_206, %dma_wait3A_207] : memref<4096x200x64xf32, #tpu.memory_space<hbm>> -> memref<1x128x64xf32, #tpu.memory_space<hbm>>
    %dma_wait3A_209 = tpu.memref_squeeze %dma_wait3A_208 : memref<1x128x64xf32, #tpu.memory_space<hbm>> -> memref<128x64xf32, #tpu.memory_space<hbm>>
    %dma_wait3A_210 = arith.constant 0 : i32
    %dma_wait3A_211 = arith.constant 0 : i32
    %dma_wait3A_212 = tpu.memref_slice %arg4[%add3A_202, %dma_wait3A_210, %dma_wait3A_211] : memref<4096x200x64xf32, #tpu.memory_space<hbm>> -> memref<1x128x64xf32, #tpu.memory_space<hbm>>
    %dma_wait3A_213 = tpu.memref_squeeze %dma_wait3A_212 : memref<1x128x64xf32, #tpu.memory_space<hbm>> -> memref<128x64xf32, #tpu.memory_space<hbm>>
    %dma_wait3A_214 = arith.constant 0 : i32
    %dma_wait3A_215 = arith.constant 0 : i32
    %dma_wait3A_216 = tpu.memref_slice %arg8[%dma_wait3A_214, %dma_wait3A_215] : memref<128x128xf32, #tpu.memory_space<vmem>> -> memref<128x64xf32, #tpu.memory_space<vmem>>
    tpu.wait_dma2 semaphore(%arg16 : memref<!tpu.dma_semaphore, #tpu.memory_space<semaphore_mem>>) src(%dma_wait3A_216 : memref<128x64xf32, #tpu.memory_space<vmem>>) dst(%dma_wait3A_213 : memref<128x64xf32, #tpu.memory_space<hbm>>)
    %add3A_217 = arith.constant 127 : i32
    %add3A_218 = arith.addi %mul3A_2, %add3A_217 : i32
    %dma_wait3A_219 = arith.constant 0 : i32
    %dma_wait3A_220 = arith.constant 0 : i32
    %dma_wait3A_221 = tpu.memref_slice %arg9[%dma_wait3A_219, %dma_wait3A_220] : memref<128x128xf32, #tpu.memory_space<vmem>> -> memref<72x64xf32, #tpu.memory_space<vmem>>
    %dma_wait3A_222 = arith.constant 128 : i32
    %dma_wait3A_223 = arith.constant 0 : i32
    %dma_wait3A_224 = tpu.memref_slice %arg4[%add3A_218, %dma_wait3A_222, %dma_wait3A_223] : memref<4096x200x64xf32, #tpu.memory_space<hbm>> -> memref<1x72x64xf32, #tpu.memory_space<hbm>>
    %dma_wait3A_225 = tpu.memref_squeeze %dma_wait3A_224 : memref<1x72x64xf32, #tpu.memory_space<hbm>> -> memref<72x64xf32, #tpu.memory_space<hbm>>
    %dma_wait3A_226 = arith.constant 128 : i32
    %dma_wait3A_227 = arith.constant 0 : i32
    %dma_wait3A_228 = tpu.memref_slice %arg4[%add3A_218, %dma_wait3A_226, %dma_wait3A_227] : memref<4096x200x64xf32, #tpu.memory_space<hbm>> -> memref<1x72x64xf32, #tpu.memory_space<hbm>>
    %dma_wait3A_229 = tpu.memref_squeeze %dma_wait3A_228 : memref<1x72x64xf32, #tpu.memory_space<hbm>> -> memref<72x64xf32, #tpu.memory_space<hbm>>
    %dma_wait3A_230 = arith.constant 0 : i32
    %dma_wait3A_231 = arith.constant 0 : i32
    %dma_wait3A_232 = tpu.memref_slice %arg9[%dma_wait3A_230, %dma_wait3A_231] : memref<128x128xf32, #tpu.memory_space<vmem>> -> memref<72x64xf32, #tpu.memory_space<vmem>>
    tpu.wait_dma2 semaphore(%arg16 : memref<!tpu.dma_semaphore, #tpu.memory_space<semaphore_mem>>) src(%dma_wait3A_232 : memref<72x64xf32, #tpu.memory_space<vmem>>) dst(%dma_wait3A_229 : memref<72x64xf32, #tpu.memory_space<hbm>>)
    return
  }
}

module attributes {stable_mosaic.version = 14 : i64} {
  func.func @_aug_body(%arg0: i32, %arg1: memref<64x2048xf32, #tpu.memory_space<vmem>>, %arg2: memref<64x2048xf32, #tpu.memory_space<vmem>>, %arg3: memref<64x2048xf32, #tpu.memory_space<vmem>>, %arg4: memref<64x2048xf32, #tpu.memory_space<vmem>>, %arg5: memref<4x64xf32, #tpu.memory_space<vmem>>, %arg6: memref<4x2048x128xf32, #tpu.memory_space<vmem>>) attributes {dimension_semantics = [#tpu.dimension_semantics<arbitrary>], iteration_bounds = array<i64: 49>, scalar_prefetch = 0 : i64, scratch_operands = 0 : i64, tpu.core_type = #tpu.core_type<tc>, window_params = [{transform_indices = @transform_0, window_bounds = array<i64: 64, 2048>}, {transform_indices = @transform_1, window_bounds = array<i64: 64, 2048>}, {transform_indices = @transform_2, window_bounds = array<i64: 64, 2048>}, {transform_indices = @transform_3, window_bounds = array<i64: 64, 2048>}, {pipeline_mode = #tpu.pipeline_mode<synchronous>, transform_indices = @transform_4, window_bounds = array<i64: 4, 64>}, {transform_indices = @transform_5, window_bounds = array<i64: 4, 2048, 128>}]} {
    %get3A = arith.constant 0 : index
    %get3A_0 = arith.constant 0 : index
    %get3A_1 = vector.load %arg5[%get3A, %get3A_0] : memref<4x64xf32, #tpu.memory_space<vmem>>, vector<4x64xf32>
    %get3A_2 = arith.constant 0 : index
    %get3A_3 = arith.constant 0 : index
    %get3A_4 = vector.load %arg1[%get3A_2, %get3A_3] : memref<64x2048xf32, #tpu.memory_space<vmem>>, vector<64x2048xf32>
    %transpose3A = tpu.transpose %get3A_4, [1, 0] : vector<64x2048xf32> -> vector<2048x64xf32>
    %slice3A = vector.extract_strided_slice %get3A_1 {offsets = [0, 0], sizes = [1, 64], strides = [1, 1]} : vector<4x64xf32> to vector<1x64xf32>
    %squeeze3A = vector.shape_cast %slice3A : vector<1x64xf32> to vector<64xf32>
    %broadcast_in_dim3A = vector.shape_cast %squeeze3A : vector<64xf32> to vector<1x64xf32>
    %add3A = vector.broadcast %broadcast_in_dim3A : vector<1x64xf32> to vector<2048x64xf32>
    %add3A_5 = arith.addf %transpose3A, %add3A : vector<2048x64xf32>
    %concatenate3A = tpu.concatenate %add3A_5, %add3A_5 in 1 : vector<2048x64xf32>, vector<2048x64xf32> -> vector<2048x128xf32>
    %swap3A = arith.constant 0 : index
    %swap3A_6 = arith.constant 0 : index
    %swap3A_7 = arith.constant 0 : index
    %swap3A_8 = vector.load %arg6[%swap3A, %swap3A_6, %swap3A_7] : memref<4x2048x128xf32, #tpu.memory_space<vmem>>, vector<1x2048x128xf32>
    %swap3A_9 = vector.shape_cast %swap3A_8 : vector<1x2048x128xf32> to vector<2048x128xf32>
    %swap3A_10 = vector.shape_cast %concatenate3A : vector<2048x128xf32> to vector<1x2048x128xf32>
    tpu.vector_store %arg6[%swap3A, %swap3A_6, %swap3A_7], %swap3A_10 {strides = array<i32>} : memref<4x2048x128xf32, #tpu.memory_space<vmem>>, vector<1x2048x128xf32>,
    %get3A_11 = arith.constant 0 : index
    %get3A_12 = arith.constant 0 : index
    %get3A_13 = vector.load %arg2[%get3A_11, %get3A_12] : memref<64x2048xf32, #tpu.memory_space<vmem>>, vector<64x2048xf32>
    %transpose3A_14 = tpu.transpose %get3A_13, [1, 0] : vector<64x2048xf32> -> vector<2048x64xf32>
    %slice3A_15 = vector.extract_strided_slice %get3A_1 {offsets = [1, 0], sizes = [1, 64], strides = [1, 1]} : vector<4x64xf32> to vector<1x64xf32>
    %squeeze3A_16 = vector.shape_cast %slice3A_15 : vector<1x64xf32> to vector<64xf32>
    %broadcast_in_dim3A_17 = vector.shape_cast %squeeze3A_16 : vector<64xf32> to vector<1x64xf32>
    %add3A_18 = vector.broadcast %broadcast_in_dim3A_17 : vector<1x64xf32> to vector<2048x64xf32>
    %add3A_19 = arith.addf %transpose3A_14, %add3A_18 : vector<2048x64xf32>
    %concatenate3A_20 = tpu.concatenate %add3A_19, %add3A_19 in 1 : vector<2048x64xf32>, vector<2048x64xf32> -> vector<2048x128xf32>
    %swap3A_21 = arith.constant 1 : index
    %swap3A_22 = arith.constant 0 : index
    %swap3A_23 = arith.constant 0 : index
    %swap3A_24 = vector.load %arg6[%swap3A_21, %swap3A_22, %swap3A_23] : memref<4x2048x128xf32, #tpu.memory_space<vmem>>, vector<1x2048x128xf32>
    %swap3A_25 = vector.shape_cast %swap3A_24 : vector<1x2048x128xf32> to vector<2048x128xf32>
    %swap3A_26 = vector.shape_cast %concatenate3A_20 : vector<2048x128xf32> to vector<1x2048x128xf32>
    tpu.vector_store %arg6[%swap3A_21, %swap3A_22, %swap3A_23], %swap3A_26 {strides = array<i32>} : memref<4x2048x128xf32, #tpu.memory_space<vmem>>, vector<1x2048x128xf32>,
    %get3A_27 = arith.constant 0 : index
    %get3A_28 = arith.constant 0 : index
    %get3A_29 = vector.load %arg3[%get3A_27, %get3A_28] : memref<64x2048xf32, #tpu.memory_space<vmem>>, vector<64x2048xf32>
    %transpose3A_30 = tpu.transpose %get3A_29, [1, 0] : vector<64x2048xf32> -> vector<2048x64xf32>
    %slice3A_31 = vector.extract_strided_slice %get3A_1 {offsets = [2, 0], sizes = [1, 64], strides = [1, 1]} : vector<4x64xf32> to vector<1x64xf32>
    %squeeze3A_32 = vector.shape_cast %slice3A_31 : vector<1x64xf32> to vector<64xf32>
    %broadcast_in_dim3A_33 = vector.shape_cast %squeeze3A_32 : vector<64xf32> to vector<1x64xf32>
    %add3A_34 = vector.broadcast %broadcast_in_dim3A_33 : vector<1x64xf32> to vector<2048x64xf32>
    %add3A_35 = arith.addf %transpose3A_30, %add3A_34 : vector<2048x64xf32>
    %concatenate3A_36 = tpu.concatenate %add3A_35, %add3A_35 in 1 : vector<2048x64xf32>, vector<2048x64xf32> -> vector<2048x128xf32>
    %swap3A_37 = arith.constant 2 : index
    %swap3A_38 = arith.constant 0 : index
    %swap3A_39 = arith.constant 0 : index
    %swap3A_40 = vector.load %arg6[%swap3A_37, %swap3A_38, %swap3A_39] : memref<4x2048x128xf32, #tpu.memory_space<vmem>>, vector<1x2048x128xf32>
    %swap3A_41 = vector.shape_cast %swap3A_40 : vector<1x2048x128xf32> to vector<2048x128xf32>
    %swap3A_42 = vector.shape_cast %concatenate3A_36 : vector<2048x128xf32> to vector<1x2048x128xf32>
    tpu.vector_store %arg6[%swap3A_37, %swap3A_38, %swap3A_39], %swap3A_42 {strides = array<i32>} : memref<4x2048x128xf32, #tpu.memory_space<vmem>>, vector<1x2048x128xf32>,
    %get3A_43 = arith.constant 0 : index
    %get3A_44 = arith.constant 0 : index
    %get3A_45 = vector.load %arg4[%get3A_43, %get3A_44] : memref<64x2048xf32, #tpu.memory_space<vmem>>, vector<64x2048xf32>
    %transpose3A_46 = tpu.transpose %get3A_45, [1, 0] : vector<64x2048xf32> -> vector<2048x64xf32>
    %slice3A_47 = vector.extract_strided_slice %get3A_1 {offsets = [3, 0], sizes = [1, 64], strides = [1, 1]} : vector<4x64xf32> to vector<1x64xf32>
    %squeeze3A_48 = vector.shape_cast %slice3A_47 : vector<1x64xf32> to vector<64xf32>
    %broadcast_in_dim3A_49 = vector.shape_cast %squeeze3A_48 : vector<64xf32> to vector<1x64xf32>
    %add3A_50 = vector.broadcast %broadcast_in_dim3A_49 : vector<1x64xf32> to vector<2048x64xf32>
    %add3A_51 = arith.addf %transpose3A_46, %add3A_50 : vector<2048x64xf32>
    %concatenate3A_52 = tpu.concatenate %add3A_51, %add3A_51 in 1 : vector<2048x64xf32>, vector<2048x64xf32> -> vector<2048x128xf32>
    %swap3A_53 = arith.constant 3 : index
    %swap3A_54 = arith.constant 0 : index
    %swap3A_55 = arith.constant 0 : index
    %swap3A_56 = vector.load %arg6[%swap3A_53, %swap3A_54, %swap3A_55] : memref<4x2048x128xf32, #tpu.memory_space<vmem>>, vector<1x2048x128xf32>
    %swap3A_57 = vector.shape_cast %swap3A_56 : vector<1x2048x128xf32> to vector<2048x128xf32>
    %swap3A_58 = vector.shape_cast %concatenate3A_52 : vector<2048x128xf32> to vector<1x2048x128xf32>
    tpu.vector_store %arg6[%swap3A_53, %swap3A_54, %swap3A_55], %swap3A_58 {strides = array<i32>} : memref<4x2048x128xf32, #tpu.memory_space<vmem>>, vector<1x2048x128xf32>,
    return
  }
  func.func @transform_0(%arg0: i32) -> (i32, i32) {
    %c0_i32 = arith.constant 0 : i32
    %c0_i32_0 = arith.constant 0 : i32
    return %c0_i32, %arg0 : i32, i32
  }
  func.func @transform_1(%arg0: i32) -> (i32, i32) {
    %c0_i32 = arith.constant 0 : i32
    %c0_i32_0 = arith.constant 0 : i32
    return %c0_i32, %arg0 : i32, i32
  }
  func.func @transform_2(%arg0: i32) -> (i32, i32) {
    %c0_i32 = arith.constant 0 : i32
    %c0_i32_0 = arith.constant 0 : i32
    return %c0_i32, %arg0 : i32, i32
  }
  func.func @transform_3(%arg0: i32) -> (i32, i32) {
    %c0_i32 = arith.constant 0 : i32
    %c0_i32_0 = arith.constant 0 : i32
    return %c0_i32, %arg0 : i32, i32
  }
  func.func @transform_4(%arg0: i32) -> (i32, i32) {
    %c0_i32 = arith.constant 0 : i32
    %c0_i32_0 = arith.constant 0 : i32
    %c0_i32_1 = arith.constant 0 : i32
    return %c0_i32, %c0_i32_0 : i32, i32
  }
  func.func @transform_5(%arg0: i32) -> (i32, i32, i32) {
    %c0_i32 = arith.constant 0 : i32
    %c0_i32_0 = arith.constant 0 : i32
    %c0_i32_1 = arith.constant 0 : i32
    return %c0_i32, %arg0, %c0_i32_0 : i32, i32, i32
  }
}

module attributes {stable_mosaic.version = 14 : i64} {
  func.func @_idx_body(%arg0: i32, %arg1: memref<200x512xi32, #tpu.memory_space<vmem>>, %arg2: memref<200x512xi32, #tpu.memory_space<vmem>>, %arg3: memref<512x200xi32, #tpu.memory_space<vmem>>) attributes {dimension_semantics = [#tpu.dimension_semantics<arbitrary>], iteration_bounds = array<i64: 8>, scalar_prefetch = 0 : i64, scratch_operands = 0 : i64, tpu.core_type = #tpu.core_type<tc>, window_params = [{transform_indices = @transform_0, window_bounds = array<i64: 200, 512>}, {transform_indices = @transform_1, window_bounds = array<i64: 200, 512>}, {transform_indices = @transform_2, window_bounds = array<i64: 512, 200>}]} {
    %get3A = arith.constant 0 : index
    %get3A_0 = arith.constant 0 : index
    %get3A_1 = vector.load %arg1[%get3A, %get3A_0] : memref<200x512xi32, #tpu.memory_space<vmem>>, vector<200x512xi32>
    %transpose3A = tpu.transpose %get3A_1, [1, 0] : vector<200x512xi32> -> vector<512x200xi32>
    %mul3A = arith.constant 100352 : i32
    %mul3A_2 = vector.broadcast %mul3A : i32 to vector<512x200xi32>
    %mul3A_3 = arith.muli %transpose3A, %mul3A_2 : vector<512x200xi32>
    %get3A_4 = arith.constant 0 : index
    %get3A_5 = arith.constant 0 : index
    %get3A_6 = vector.load %arg2[%get3A_4, %get3A_5] : memref<200x512xi32, #tpu.memory_space<vmem>>, vector<200x512xi32>
    %transpose3A_7 = tpu.transpose %get3A_6, [1, 0] : vector<200x512xi32> -> vector<512x200xi32>
    %add3A = arith.addi %mul3A_3, %transpose3A_7 : vector<512x200xi32>
    %swap3A = arith.constant 0 : index
    %swap3A_8 = arith.constant 0 : index
    %swap3A_9 = vector.load %arg3[%swap3A, %swap3A_8] : memref<512x200xi32, #tpu.memory_space<vmem>>, vector<512x200xi32>
    tpu.vector_store %arg3[%swap3A, %swap3A_8], %add3A {strides = array<i32>} : memref<512x200xi32, #tpu.memory_space<vmem>>, vector<512x200xi32>,
    return
  }
  func.func @transform_0(%arg0: i32) -> (i32, i32) {
    %c0_i32 = arith.constant 0 : i32
    %c0_i32_0 = arith.constant 0 : i32
    return %c0_i32, %arg0 : i32, i32
  }
  func.func @transform_1(%arg0: i32) -> (i32, i32) {
    %c0_i32 = arith.constant 0 : i32
    %c0_i32_0 = arith.constant 0 : i32
    return %c0_i32, %arg0 : i32, i32
  }
  func.func @transform_2(%arg0: i32) -> (i32, i32) {
    %c0_i32 = arith.constant 0 : i32
    %c0_i32_0 = arith.constant 0 : i32
    return %arg0, %c0_i32 : i32, i32
  }
}

</mosaic_0001>

<sc_bundles>
// kernel: sc_gather.3.cloned.1.call-start
scs
__scs_entry_jumppad:
0x0: {  	(pc) =	sbr.rel $0x88, $3  }
0x1: {  	(tag) =	ssettag $0x0;
	lr =	simm.s32 $0x1  }
0x2: {  	[smem:$0x3F9A] =	sst lr;
	_ =	strace $0xD0000000  }
0x3: {  	_ = 	snop  }
0x4: {  	_ = 	snop  }
0x5: {  	_ = 	snop  }
0x6: {  	_ = 	snop  }
0x7: {  	_ = 	snop  }
__scs_overlays_trampoline_lowered:
0x8: {  	[smem:$0x3FA9] =	sst s0  }
0x9: {  	[smem:$0x3FAA] =	sst s1  }
0xa: {  	[smem:$0x3FAB] =	sst s2  }
0xb: {  	[smem:$0x3FAC] =	sst s3  }
0xc: {  	[smem:$0x3FAD] =	sst s4  }
0xd: {  	[smem:$0x3FAE] =	sst s5  }
0xe: {  	[smem:$0x3FAF] =	sst s6  }
0xf: {  	[smem:$0x3FB0] =	sst s7  }
0x10: {  	[smem:$0x3FB1] =	sst s8  }
0x11: {  	[smem:$0x3FB2] =	sst s9;
	s0 =	simm.s32 @!p0 $0x0  }
0x12: {  	s1 =	sld [smem:$0x3F98];
	s0 =	simm.s32 @p0 $0x1  }
0x13: {  	[smem:$0x3FB3] =	sst s0;
	s0 =	simm.s32 @!p1 $0x0  }
0x14: {  	s2 =	sld [smem:$0x3F97];
	s0 =	simm.s32 @p1 $0x1  }
0x15: {  	[smem:$0x3FB4] =	sst s0;
	s0 =	simm.s32 @!p2 $0x0  }
0x16: {  	s3 =	sld [smem:$0x3FDB];
	s0 =	simm.s32 @p2 $0x1  }
0x17: {  	s4 =	simm.s32 $0x1BF5;
	[smem:$0x3FB6] =	sst s0  }
0x18: {  	s0 =	sld [smem:$0x3F99];
	_ =	swait.ge [sflag:s4], $0x0  }
0x19: {  	s7 =	sld [smem:$0x3F9A]  }
0x1a: {  	s8 =	sadd.s32 $0xFFFFE003, lr  }
0x1b: {  	s9 =	sadd.s32 $0xFFFFFEF7, lr;
	s5 =	simm.s32 $0xFFFFFFFF;
	p2 =	slt.u32 s8, $0xFFFFF086  }
0x1c: {  	p1 =	slt.u32 s9, $0xF7A;
	s5 =	simm.s32 @!p2 $0x0  }
0x1d: {  	s5 =	simm.s32 @p1 $0x1;
	p0 =	seq.s32 s7, s2  }
0x1e: {  	s7 =	smul.u32 @!p0 $0xF7A, s2;
	p2 =	seq.s32 @!p0 s5, $0x0  }
0x1f: {  	s9 =	smul.u32 $0xF7A, s1;
	s8 =	simm.s32 @!p0 $0x1BF5;
	p2 =	por !p2, p0  }
0x20: {  	[sflag:s8] =	ssyncset.s32 @!p0 $0xFFFFF086;
	s6 =	sadd.s32 @!p0 s3, s7;
	s7 =	simm.s32 @!p0 $0x108  }
0x21: {  	s3 =	sadd.s32 s3, s9;
	s6 =	sadd.s32 @!p0 $0x88, s6;
	s7 =	simm.s32 @p2 $0x1082  }
0x22: {  	[simem:s7], [sflag:s8] =	dma.local @!p0 [hbm:s6], $0xF7A  }
0x23: {  	s9 =	sor.u32 $0xD0000000, s2;
	s6 =	simm.s32 $0x108;
	_ =	swait.ge @!p0 [sflag:s8], $0x0  }
0x24: {  	s3 =	sadd.s32 $0x88, s3;
	s6 =	simm.s32 @!p1 $0x1082;
	[sflag:s4] =	ssyncset.s32 $0xFFFFF086  }
0x25: {  	[simem:s6], [sflag:s4] =	dma.local [hbm:s3], $0xF7A  }
0x26: {  	[smem:$0x3F9A] =	sst s1;
	(tag) =	ssettag s2;
	_ =	strace s9  }
0x27: {  	s1 =	sld [smem:$0x3FAA]  }
0x28: {  	s2 =	sld [smem:$0x3FAB]  }
0x29: {  	s4 =	sld [smem:$0x3FAD]  }
0x2a: {  	p0 =	seq.s32 s5, $0x0;
	s5 =	sld [smem:$0x3FAE]  }
0x2b: {  	s6 =	sld [smem:$0x3FAF]  }
0x2c: {  	s7 =	sld [smem:$0x3FB0]  }
0x2d: {  	s3 =	simm.s32 $0x108;
	s8 =	sld [smem:$0x3FB1]  }
0x2e: {  	s3 =	simm.s32 @!p0 $0x1082;
	s9 =	sld [smem:$0x3FB2]  }
0x2f: {  	lr =	sadd.s32 s0, s3;
	s0 =	sld [smem:$0x3FA9]  }
0x30: {  	s3 =	sld [smem:$0x3FAC]  }
0x31: {  	[smem:$0x3FB5] =	sst s10  }
0x32: {  	s10 =	sld [smem:$0x3FB3];
	_ =	sdelay $0x3  }
0x33: {  	p0 =	seq.s32 s10, $0x1;
	s10 =	sld [smem:$0x3FB5];
	_ =	sdelay $0x3  }
0x34: {  	[smem:$0x3FB5] =	sst s10  }
0x35: {  	s10 =	sld [smem:$0x3FB4];
	_ =	sdelay $0x3  }
0x36: {  	p1 =	seq.s32 s10, $0x1;
	s10 =	sld [smem:$0x3FB5];
	_ =	sdelay $0x3  }
0x37: {  	[smem:$0x3FB5] =	sst s10  }
0x38: {  	s10 =	sld [smem:$0x3FB6]  }
0x39: {  	_ = 	snop;
	(pc) =	sbr.ind lr, $3  }
0x3a: {  	_ = 	snop  }
0x3b: {  	_ = 	snop  }
0x3c: {  	p2 =	seq.s32 s10, $0x1;
	s10 =	sld [smem:$0x3FB5]  }
0x3d: {  	_ =	shalt  }
0x3e: {  	_ =	shalt  }
0x3f: {  	_ =	shalt  }
0x40: {  	_ =	shalt  }
0x41: {  	_ =	shalt  }
0x42: {  	_ =	shalt  }
0x43: {  	_ =	shalt  }
0x44: {  	_ =	shalt  }
0x45: {  	_ =	shalt  }
0x46: {  	_ =	shalt  }
0x47: {  	_ =	shalt  }
0x48: {  	_ =	shalt  }
0x49: {  	_ =	shalt  }
0x4a: {  	_ =	shalt  }
0x4b: {  	_ =	shalt  }
0x4c: {  	_ =	shalt  }
0x4d: {  	_ =	shalt  }
0x4e: {  	_ =	shalt  }
0x4f: {  	_ =	shalt  }
0x50: {  	_ =	shalt  }
0x51: {  	_ =	shalt  }
0x52: {  	_ =	shalt  }
0x53: {  	_ =	shalt  }
0x54: {  	_ =	shalt  }
0x55: {  	_ =	shalt  }
0x56: {  	_ =	shalt  }
0x57: {  	_ =	shalt  }
0x58: {  	_ =	shalt  }
0x59: {  	_ =	shalt  }
0x5a: {  	_ =	shalt  }
0x5b: {  	_ =	shalt  }
0x5c: {  	_ =	shalt  }
0x5d: {  	_ =	shalt  }
0x5e: {  	_ =	shalt  }
0x5f: {  	_ =	shalt  }
0x60: {  	_ =	shalt  }
0x61: {  	_ =	shalt  }
0x62: {  	_ =	shalt  }
0x63: {  	_ =	shalt  }
0x64: {  	_ =	shalt  }
0x65: {  	_ =	shalt  }
0x66: {  	_ =	shalt  }
0x67: {  	_ =	shalt  }
0x68: {  	_ =	shalt  }
0x69: {  	_ =	shalt  }
0x6a: {  	_ =	shalt  }
0x6b: {  	_ =	shalt  }
0x6c: {  	_ =	shalt  }
0x6d: {  	_ =	shalt  }
0x6e: {  	_ =	shalt  }
0x6f: {  	_ =	shalt  }
0x70: {  	_ =	shalt  }
0x71: {  	_ =	shalt  }
0x72: {  	_ =	shalt  }
0x73: {  	_ =	shalt  }
0x74: {  	_ =	shalt  }
0x75: {  	_ =	shalt  }
0x76: {  	_ =	shalt  }
0x77: {  	_ =	shalt  }
0x78: {  	_ =	shalt  }
0x79: {  	_ =	shalt  }
0x7a: {  	_ =	shalt  }
0x7b: {  	_ =	shalt  }
0x7c: {  	_ =	shalt  }
0x7d: {  	_ =	shalt  }
0x7e: {  	_ =	shalt  }
0x7f: {  	_ =	shalt  }
0x80: {  	_ =	shalt  }
0x81: {  	_ =	shalt  }
0x82: {  	_ =	shalt  }
0x83: {  	_ =	shalt  }
0x84: {  	_ =	shalt  }
0x85: {  	_ =	shalt  }
0x86: {  	_ =	shalt  }
0x87: {  	_ =	shalt  }
.Lfunc_end0:
.L_simem_size_0:
called_computation.1_lowered:
.L_overlay_start_0:
0x88: {  	s2 =	sld [smem:$0x3FD9]  }
0x89: {  	s3 =	sld [smem:$0x3FFE];
	_ =	sdelay $0x1  }
0x8a: {  	s1 =	srdreg.scid  }
0x8b: {  	s0 =	sand.u32 $0x1, s1  }
0x8c: {  	s17 =	sshll.u32 s0, $0xA;
	s2 =	sadd.s32 s3, s2  }
0x8d: {  	s2 =	sadd.s32 s2, s17  }
0x8e: {  	[smem:$0x3FC1] =	sst s2  }
0x8f: {  	_ = 	snop  }
0x90: {  	s2 =	sld [smem:$0x3FD0];
	(tm) =	ssettm $0x1  }
0x91: {  	s18 =	sld [smem:$0x3FFB];
	_ =	sdelay $0x3  }
0x92: {  	_ =	strace s18  }
0x93: {  	s3 =	sld [smem:$0x3FFC];
	_ =	sdelay $0x3  }
0x94: {  	_ =	strace s3  }
0x95: {  	s3 =	sld [smem:$0x3FFD];
	_ =	sdelay $0x3  }
0x96: {  	_ =	strace s3  }
0x97: {  	_ =	strace $0x8FFFFFFF  }
0x98: {  	s19 =	sld [smem:$0x3FDB];
	_ =	sdelay $0x1  }
0x99: {  	s4 =	simm.s32 $_scs_section_size  }
0x9a: {  	s5 =	simm.s32 $_size__tile_overlayer_lowered;
	s6 =	simm.s32 $_tile_overlayer_lowered  }
0x9b: {  	s22 =	simm.s32 $0x1BFF;
	s21 =	sshll.u32 s6, $0x1;
	s3 =	sadd.s32 s4, s19  }
0x9c: {  	s7 =	simm.s32 $0x0;
	s20 =	sshll.u32 s5, $0x1;
	s5 =	sadd.s32 s21, s3  }
0x9d: {  	[timem:s7], [sflag:s22] =	dma.local [hbm:s5], s20  }
0x9e: {  	_ =	swait.ge [sflag:s22], s20  }
0x9f: {  	s4 =	ssub.s32 $0x0, s20;
	[sflag:s22] =	ssyncset.done $0x0  }
0xa0: {  	[sflag:s22] =	ssyncadd.s32 s4;
	_ =	sdelay $0x1  }
0xa1: {  	s23 =	simm.s32 $0x1B8B  }
0xa2: {  	_ =	swait.ge [sflag:s23], $0x1  }
0xa3: {  	[sflag:s23] =	ssyncset.done $0x0  }
0xa4: {  	s25 =	simm.s32 $0x1B8E;
	s24 =	sld [smem:$0x3FFE];
	[sflag:s23] =	ssyncadd.s32 $0xFFFFFFFF  }
0xa5: {  	s26 =	simm.s32 $execute0_lowered;
	[smem:$0x3FD2] =	sst s25  }
0xa6: {  	s5 =	sshll.u32 s26, $0x1;
	_ =	strace $0x80000046;
	[dreg:$0x1] =	wrdreg $0xFFFFFFFF  }
0xa7: {  	s28 =	simm.s32 $_size_execute0_lowered;
	s3 =	sadd.s32 s3, s5;
	[dreg:$0x0] =	wrdreg $0x0  }
0xa8: {  	s5 =	sshll.u32 s28, $0x1;
	[dreg:$0x2] =	wrdreg s3  }
0xa9: {  	[dreg:$0x3] =	wrdreg s5  }
0xaa: {  	[dreg:$0x4] =	wrdreg $0xC0  }
0xab: {  	_ =	task [dreg:s7], $0x5FFFF  }
0xac: {  	[dreg:$0x1] =	wrdreg $0xFFFFFFFF  }
0xad: {  	[dreg:$0x0] =	wrdreg $0x60  }
0xae: {  	[dreg:$0x2] =	wrdreg s24  }
0xaf: {  	[dreg:$0x3] =	wrdreg s2  }
0xb0: {  	[dreg:$0x4] =	wrdreg $0x9  }
0xb1: {  	_ =	task.clear_ibuf [dreg:s7], $0x5FFFF;
	_ =	strace $0x90000046  }
0xb2: {  	s29 =	simm.s32 $0x9;
	_ =	strace $0x80000048  }
0xb3: {  	_ =	swait.ge [sflag:s29], $0x1  }
0xb4: {  	[sflag:s29] =	ssyncadd.s32 $0xFFFFFFFF  }
0xb5: {  	_ =	strace $0x90000048  }
0xb6: {  	_ =	sfence  }
0xb7: {  	s30 =	sld [smem:$0x0];
	_ =	sdelay $0x2  }
0xb8: {  	s31 =	sshll.u32 s1, $0xD;
	s1 =	sshrl.u32 s1, $0x2  }
0xb9: {  	s3 =	sand.u32 $0x4000, s31;
	s1 =	sadd.s32 s1, s30  }
0xba: {  	s0 =	sor.u32 s3, s0;
	s1 =	sshll.u32 s1, $0x11  }
0xbb: {  	s0 =	sor.u32 s1, s0  }
0xbc: {  	s0 =	sadd.s32 $0x8F2B, s0  }
0xbd: {  	[sflag:s0] =	ssyncadd.remote.s32 $0x1  }
0xbe: {  	_ =	sfence.sel $0xFFFF  }
0xbf: {  	[dreg:$0x0] =	wrdreg $0xFFFFFFFF;
	(pc) =	sbr.abs _section_cstart, $3  }
0xc0: {  	[dreg:$0x1] =	wrdreg $0xFFFFFFFF  }
0xc1: {  	_ =	task.clear_ibuf [dreg:s7], $0x2FFFF;
	_ =	strace $0x9FFFFFFF  }
0xc2: {  	(tm) =	ssettm $0x7FFFFFFF  }
0xc3: {  	_ =	shalt  }
tec
execute0_lowered:
.L_overlay_start_1:
0x0: {  	(tag) =	ssettag $0x1  }
0x1: {  	s0 =	srdreg.scid;
	s2 =	stileid.u32  }
0x2: {  	s1 =	rddreg [dreg:$0x0];
	s15 =	simm.s32 $0x80;
	s16 =	simm.s32 $0x6400  }
0x3: {  	s17 =	simm.s32 $0x48;
	s18 =	simm.s32 $0xA400;
	s20 =	simm.s32 $0xE400  }
0x4: {  	s22 =	simm.s32 $0x12400;
	s28 =	simm.s32 $0x1;
	s29 =	simm.s32 $0x4  }
0x5: {  	s30 =	simm.s32 $0x2;
	s31 =	simm.s32 $0x5;
	s0 =	sand.u32 $0x1, s0  }
0x6: {  	s13 =	simm.s32 $0x0;
	s3 =	sshll.u32 s2, $0x8;
	s4 =	sshll.u32 s0, $0x7  }
0x7: {  	s2 =	rddreg [dreg:$0x1];
	s0 =	ssub.s32 $0x2, s0;
	s3 =	sor.u32 s4, s3  }
0x8: {  	s4 =	simm.s32 $0x0;
	s24 =	sshrl.u32 s0, $0x1;
	s5 =	smul.u32 $0x19, s3  }
0x9: {  	[smem:$0x7FF] =	sst s4;
	s6 =	smul.u32 $0x3200, s3;
	s0 =	ssub.s32 s0, s24  }
0xa: {  	s8 =	sor.u32 $0x2, s3;
	_ =	strace $0x80000047;
	s0 =	smax.u32 s0, $0x1  }
0xb: {  	s7 =	sadd.s32 s5, s1;
	s5 =	sadd.s32 $0x19E00, s1;
	s6 =	sshrl.u32 s6, $0x3  }
0xc: {  	[dreg:$0x4] =	wrdreg s0;
	s1 =	simm.s32 $0x3;
	s0 =	simm.s32 $0x6  }
0xd: {  	s25 =	sadd.s32 $0xE00, s7;
	s26 =	sadd.s32 s2, s6;
	s7 =	sor.u32 $0x1, s3  }
0xe: {  	[dreg:$0x3] =	wrdreg s25;
	s9 =	sadd.s32 $0x31380, s26;
	s10 =	sadd.s32 $0x31780, s26  }
0xf: {  	s11 =	sadd.s32 $0x319C0, s26;
	s12 =	sadd.s32 $0x31DC0, s26;
	s26 =	simm.s32 $0x1A400  }
.LBB2_1:
0x10: {  	[dreg:$0x5] =	wrdreg s13  }
0x11: {  	s6 =	rddreg [dreg:$0x3];
	s14 =	simm.s32 $0x7  }
0x12: {  	[tilespmem:s4], [sflag:$0x7] =	stream.linear.gather [hbm4b:s6+s4], $0x6400, $0x38;
	[tilespmem:$0x1E400] =	vst v63  }
0x13: {  	_ =	swait.ge [sflag:s14], $0x6400  }
0x14: {  	[sflag:s14] =	ssyncset.done $0x0  }
0x15: {  	[sflag:s14] =	ssyncadd.s32 $0xFFFF9C00  }
0x16: {  	[tilespmem:s16], [sflag:$0x1] =	stream.indirect.gather [hbm4b:s5+s15], $0x80, s4, s15, $0xb8;
	[tilespmem:$0x1E400] =	vst v63  }
0x17: {  	_ = 	snop  }
0x18: {  	[tilespmem:s18], [sflag:$0x1] =	stream.indirect.gather [hbm4b:s5+s17], $0x80, s15, s17, $0xb8;
	[tilespmem:$0x1E400] =	vst v63  }
0x19: {  	s19 =	simm.s32 $0xC8  }
0x1a: {  	[tilespmem:s20], [sflag:$0x2] =	stream.indirect.gather [hbm4b:s5+s15], $0x80, s19, s15, $0xb8;
	[tilespmem:$0x1E400] =	vst v63  }
0x1b: {  	s21 =	simm.s32 $0x148  }
0x1c: {  	[tilespmem:s22], [sflag:$0x2] =	stream.indirect.gather [hbm4b:s5+s17], $0x80, s21, s17, $0xb8;
	[tilespmem:$0x1E400] =	vst v63  }
0x1d: {  	s23 =	simm.s32 $0x190;
	s24 =	simm.s32 $0x16400  }
0x1e: {  	[tilespmem:s24], [sflag:$0x3] =	stream.indirect.gather [hbm4b:s5+s15], $0x80, s23, s15, $0xb8;
	[tilespmem:$0x1E400] =	vst v63  }
0x1f: {  	s25 =	simm.s32 $0x210;
	s21 =	simm.s32 $0x0  }
0x20: {  	[tilespmem:s26], [sflag:$0x3] =	stream.indirect.gather [hbm4b:s5+s17], $0x80, s25, s17, $0xb8;
	[tilespmem:$0x1E400] =	vst v63  }
.LBB2_2:
0x21: {  	s25 =	smul.u32 $0x3, s21;
	_ =	sdelay $0x1  }
0x22: {  	_ =	swait.ge [sflag:s28], $0x4000;
	s6 =	sadd.s32 s3, s25  }
0x23: {  	[sflag:s28] =	ssyncset.done $0x0;
	s6 =	smul.u32 $0x3200, s6  }
0x24: {  	[sflag:s28] =	ssyncadd.s32 $0xFFFFC000  }
0x25: {  	s13 =	simm.s32 $0x8;
	_ =	swait.ge [sflag:s28], $0x2400;
	s6 =	sshrl.u32 s6, $0x3  }
0x26: {  	s14 =	simm.s32 $0x6480;
	[sflag:s28] =	ssyncset.done $0x0;
	s23 =	sadd.s32 s2, s6  }
0x27: {  	[sflag:s28] =	ssyncadd.s32 $0xFFFFDC00;
	s6 =	simm.s32 $0x6400;
	s19 =	sadd.s32 $0x0, s23  }
.LBB2_3:
0x28: {  	[hbm4b:s19+s4] =	stream.linear.scatter [tilespmem:s6], [sflag:$0x4], $0x40, $0x38;
	[tilespmem:$0x1E400] =	vst v63  }
0x29: {  	s19 =	smov.u32 s13;
	s6 =	smov.u32 s14;
	p0 =	sne.s32 s13, $0x3F8  }
.Ltmp0:
0x2a: {  	s13 =	sadd.s32 $0x8, s13;
	(pc) =	sbr.rel @p0 .LBB2_3-.Ltmp0, $2  }
0x2b: {  	_ =	sdelay $0x2  }
0x2c: {  	s14 =	sadd.s32 $0x80, s14;
	s19 =	sadd.s32 s19, s23  }
0x2d: {  	[hbm4b:s19+s4] =	stream.linear.scatter [tilespmem:s6], [sflag:$0x4], $0x40, $0x38;
	[tilespmem:$0x1E400] =	vst v63  }
0x2e: {  	s6 =	sadd.s32 $0x400, s23;
	s23 =	simm.s32 $0xA400  }
0x2f: {  	s13 =	simm.s32 $0x8;
	s14 =	simm.s32 $0xA480;
	s19 =	sadd.s32 $0x0, s6  }
.LBB2_5:
0x30: {  	[hbm4b:s19+s4] =	stream.linear.scatter [tilespmem:s23], [sflag:$0x4], $0x40, $0x38;
	[tilespmem:$0x1E400] =	vst v63  }
0x31: {  	s19 =	smov.u32 s13;
	s23 =	smov.u32 s14;
	p0 =	sne.s32 s13, $0x238  }
.Ltmp1:
0x32: {  	s13 =	sadd.s32 $0x8, s13;
	(pc) =	sbr.rel @p0 .LBB2_5-.Ltmp1, $2  }
0x33: {  	_ =	sdelay $0x2  }
0x34: {  	s14 =	sadd.s32 $0x80, s14;
	s19 =	sadd.s32 s19, s6  }
0x35: {  	[hbm4b:s19+s4] =	stream.linear.scatter [tilespmem:s23], [sflag:$0x4], $0x40, $0x38;
	[tilespmem:$0x1E400] =	vst v63  }
0x36: {  	_ =	swait.ge [sflag:s29], $0x2000  }
0x37: {  	[sflag:s29] =	ssyncset.done $0x0  }
0x38: {  	s6 =	smul.u32 $0x960, s21;
	[sflag:s29] =	ssyncadd.s32 $0xFFFFE000  }
0x39: {  	_ =	swait.ge [sflag:s29], $0x1200  }
0x3a: {  	s23 =	sshra.s32 s6, $0x2;
	[sflag:s29] =	ssyncset.done $0x0  }
0x3b: {  	s6 =	sadd.s32 $0x258, s23;
	[sflag:s29] =	ssyncadd.s32 $0xFFFFEE00  }
0x3c: {  	[tilespmem:s16], [sflag:$0x1] =	stream.indirect.gather [hbm4b:s5+s15], $0x80, s6, s15, $0xb8;
	[tilespmem:$0x1E400] =	vst v63  }
0x3d: {  	s19 =	sadd.s32 $0x2D8, s23  }
0x3e: {  	[tilespmem:s18], [sflag:$0x1] =	stream.indirect.gather [hbm4b:s5+s17], $0x80, s19, s17, $0xb8;
	[tilespmem:$0x1E400] =	vst v63  }
0x3f: {  	s24 =	sadd.s32 s25, s7;
	_ =	swait.ge [sflag:s30], $0x4000  }
0x40: {  	s6 =	smul.u32 $0x3200, s24;
	[sflag:s30] =	ssyncset.done $0x0  }
0x41: {  	[sflag:s30] =	ssyncadd.s32 $0xFFFFC000  }
0x42: {  	s13 =	simm.s32 $0xE400;
	s6 =	sshrl.u32 s6, $0x3;
	_ =	swait.ge [sflag:s30], $0x2400  }
0x43: {  	s14 =	simm.s32 $0x8;
	s6 =	sadd.s32 s2, s6;
	[sflag:s30] =	ssyncset.done $0x0  }
0x44: {  	s19 =	simm.s32 $0xE480;
	s24 =	sadd.s32 $0x0, s6;
	[sflag:s30] =	ssyncadd.s32 $0xFFFFDC00  }
.LBB2_7:
0x45: {  	[hbm4b:s24+s4] =	stream.linear.scatter [tilespmem:s13], [sflag:$0x5], $0x40, $0x38;
	[tilespmem:$0x1E400] =	vst v63  }
0x46: {  	s24 =	smov.u32 s14;
	s13 =	smov.u32 s19;
	p0 =	sne.s32 s14, $0x3F8  }
.Ltmp2:
0x47: {  	s14 =	sadd.s32 $0x8, s14;
	(pc) =	sbr.rel @p0 .LBB2_7-.Ltmp2, $2  }
0x48: {  	_ =	sdelay $0x2  }
0x49: {  	s19 =	sadd.s32 $0x80, s19;
	s24 =	sadd.s32 s24, s6  }
0x4a: {  	[hbm4b:s24+s4] =	stream.linear.scatter [tilespmem:s13], [sflag:$0x5], $0x40, $0x38;
	[tilespmem:$0x1E400] =	vst v63  }
0x4b: {  	s6 =	sadd.s32 $0x400, s6;
	s13 =	simm.s32 $0x12400  }
0x4c: {  	s14 =	simm.s32 $0x8;
	s19 =	simm.s32 $0x12480;
	s24 =	sadd.s32 $0x0, s6  }
.LBB2_9:
0x4d: {  	[hbm4b:s24+s4] =	stream.linear.scatter [tilespmem:s13], [sflag:$0x5], $0x40, $0x38;
	[tilespmem:$0x1E400] =	vst v63  }
0x4e: {  	s24 =	smov.u32 s14;
	s13 =	smov.u32 s19;
	p0 =	sne.s32 s14, $0x238  }
.Ltmp3:
0x4f: {  	s14 =	sadd.s32 $0x8, s14;
	(pc) =	sbr.rel @p0 .LBB2_9-.Ltmp3, $2  }
0x50: {  	_ =	sdelay $0x2  }
0x51: {  	s19 =	sadd.s32 $0x80, s19;
	s24 =	sadd.s32 s24, s6  }
0x52: {  	[hbm4b:s24+s4] =	stream.linear.scatter [tilespmem:s13], [sflag:$0x5], $0x40, $0x38;
	[tilespmem:$0x1E400] =	vst v63  }
0x53: {  	_ =	swait.ge [sflag:s31], $0x2000  }
0x54: {  	[sflag:s31] =	ssyncset.done $0x0  }
0x55: {  	[sflag:s31] =	ssyncadd.s32 $0xFFFFE000  }
0x56: {  	_ =	swait.ge [sflag:s31], $0x1200  }
0x57: {  	[sflag:s31] =	ssyncset.done $0x0  }
0x58: {  	s6 =	sadd.s32 $0x320, s23;
	[sflag:s31] =	ssyncadd.s32 $0xFFFFEE00  }
0x59: {  	[tilespmem:s20], [sflag:$0x2] =	stream.indirect.gather [hbm4b:s5+s15], $0x80, s6, s15, $0xb8;
	[tilespmem:$0x1E400] =	vst v63  }
0x5a: {  	s24 =	sadd.s32 $0x3A0, s23  }
0x5b: {  	[tilespmem:s22], [sflag:$0x2] =	stream.indirect.gather [hbm4b:s5+s17], $0x80, s24, s17, $0xb8;
	[tilespmem:$0x1E400] =	vst v63  }
0x5c: {  	s25 =	sadd.s32 s25, s8;
	_ =	swait.ge [sflag:s1], $0x4000  }
0x5d: {  	s6 =	smul.u32 $0x3200, s25;
	[sflag:s1] =	ssyncset.done $0x0  }
0x5e: {  	[sflag:s1] =	ssyncadd.s32 $0xFFFFC000  }
0x5f: {  	s13 =	simm.s32 $0x16400;
	s6 =	sshrl.u32 s6, $0x3;
	_ =	swait.ge [sflag:s1], $0x2400  }
0x60: {  	s14 =	simm.s32 $0x8;
	s6 =	sadd.s32 s2, s6;
	[sflag:s1] =	ssyncset.done $0x0  }
0x61: {  	s19 =	simm.s32 $0x16480;
	s24 =	sadd.s32 $0x0, s6;
	[sflag:s1] =	ssyncadd.s32 $0xFFFFDC00  }
.LBB2_11:
0x62: {  	[hbm4b:s24+s4] =	stream.linear.scatter [tilespmem:s13], [sflag:$0x6], $0x40, $0x38;
	[tilespmem:$0x1E400] =	vst v63  }
0x63: {  	s24 =	smov.u32 s14;
	s13 =	smov.u32 s19;
	p0 =	sne.s32 s14, $0x3F8  }
.Ltmp4:
0x64: {  	s14 =	sadd.s32 $0x8, s14;
	(pc) =	sbr.rel @p0 .LBB2_11-.Ltmp4, $2  }
0x65: {  	_ =	sdelay $0x2  }
0x66: {  	s19 =	sadd.s32 $0x80, s19;
	s24 =	sadd.s32 s24, s6  }
0x67: {  	[hbm4b:s24+s4] =	stream.linear.scatter [tilespmem:s13], [sflag:$0x6], $0x40, $0x38;
	[tilespmem:$0x1E400] =	vst v63  }
0x68: {  	s6 =	sadd.s32 $0x400, s6;
	s13 =	simm.s32 $0x1A400  }
0x69: {  	s14 =	simm.s32 $0x8;
	s19 =	simm.s32 $0x1A480;
	s24 =	sadd.s32 $0x0, s6  }
.LBB2_13:
0x6a: {  	[hbm4b:s24+s4] =	stream.linear.scatter [tilespmem:s13], [sflag:$0x6], $0x40, $0x38;
	[tilespmem:$0x1E400] =	vst v63  }
0x6b: {  	s24 =	smov.u32 s14;
	s13 =	smov.u32 s19;
	p0 =	sne.s32 s14, $0x238  }
.Ltmp5:
0x6c: {  	s14 =	sadd.s32 $0x8, s14;
	(pc) =	sbr.rel @p0 .LBB2_13-.Ltmp5, $2  }
0x6d: {  	_ =	sdelay $0x2  }
0x6e: {  	s19 =	sadd.s32 $0x80, s19;
	s24 =	sadd.s32 s24, s6  }
0x6f: {  	[hbm4b:s24+s4] =	stream.linear.scatter [tilespmem:s13], [sflag:$0x6], $0x40, $0x38;
	[tilespmem:$0x1E400] =	vst v63  }
0x70: {  	p0 =	seq.s32 s21, $0x29;
	_ =	swait.ge [sflag:s0], $0x2000  }
.Ltmp6:
0x71: {  	[sflag:s0] =	ssyncset.done $0x0;
	(pc) =	sbr.rel @p0 .LBB2_16-.Ltmp6, $4  }
0x72: {  	[sflag:s0] =	ssyncadd.s32 $0xFFFFE000  }
0x73: {  	_ =	swait.ge [sflag:s0], $0x1200  }
0x74: {  	[sflag:s0] =	ssyncset.done $0x0  }
0x75: {  	[sflag:s0] =	ssyncadd.s32 $0xFFFFEE00  }
.Ltmp7:
0x76: {  	(pc) =	sbr.rel .LBB2_2-.Ltmp7, $4  }
0x77: {  	s6 =	sadd.s32 $0x3E8, s23;
	s13 =	simm.s32 $0x16400  }
0x78: {  	[tilespmem:s13], [sflag:$0x3] =	stream.indirect.gather [hbm4b:s5+s15], $0x80, s6, s15, $0xb8;
	[tilespmem:$0x1E400] =	vst v63  }
0x79: {  	s25 =	sadd.s32 $0x468, s23;
	s21 =	sadd.s32 $0x1, s21  }
0x7a: {  	[tilespmem:s26], [sflag:$0x3] =	stream.indirect.gather [hbm4b:s5+s17], $0x80, s25, s17, $0xb8;
	[tilespmem:$0x1E400] =	vst v63  }
.LBB2_16:
0x7b: {  	_ =	swait.ge [sflag:s28], $0x4000  }
0x7c: {  	[sflag:s28] =	ssyncset.done $0x0  }
0x7d: {  	[sflag:s28] =	ssyncadd.s32 $0xFFFFC000  }
0x7e: {  	_ =	swait.ge [sflag:s28], $0x2400  }
0x7f: {  	s6 =	simm.s32 $0x6400;
	s13 =	simm.s32 $0x8;
	[sflag:s28] =	ssyncset.done $0x0  }
0x80: {  	s19 =	sadd.s32 $0x0, s9;
	s14 =	simm.s32 $0x6480;
	[sflag:s28] =	ssyncadd.s32 $0xFFFFDC00  }
.LBB2_17:
0x81: {  	[hbm4b:s19+s4] =	stream.linear.scatter [tilespmem:s6], [sflag:$0x4], $0x40, $0x38;
	[tilespmem:$0x1E400] =	vst v63  }
0x82: {  	s19 =	smov.u32 s13;
	s6 =	smov.u32 s14;
	p0 =	sne.s32 s13, $0x3F8  }
.Ltmp8:
0x83: {  	s13 =	sadd.s32 $0x8, s13;
	(pc) =	sbr.rel @p0 .LBB2_17-.Ltmp8, $2  }
0x84: {  	_ =	sdelay $0x2  }
0x85: {  	s14 =	sadd.s32 $0x80, s14;
	s19 =	sadd.s32 s19, s9  }
0x86: {  	[hbm4b:s19+s4] =	stream.linear.scatter [tilespmem:s6], [sflag:$0x4], $0x40, $0x38;
	[tilespmem:$0x1E400] =	vst v63  }
0x87: {  	s6 =	simm.s32 $0xA400  }
0x88: {  	s13 =	simm.s32 $0x8;
	s19 =	sadd.s32 $0x0, s10;
	s14 =	simm.s32 $0xA480  }
.LBB2_19:
0x89: {  	[hbm4b:s19+s4] =	stream.linear.scatter [tilespmem:s6], [sflag:$0x4], $0x40, $0x38;
	[tilespmem:$0x1E400] =	vst v63  }
0x8a: {  	s19 =	smov.u32 s13;
	s6 =	smov.u32 s14;
	p0 =	sne.s32 s13, $0x238  }
.Ltmp9:
0x8b: {  	s13 =	sadd.s32 $0x8, s13;
	(pc) =	sbr.rel @p0 .LBB2_19-.Ltmp9, $2  }
0x8c: {  	_ =	sdelay $0x2  }
0x8d: {  	s14 =	sadd.s32 $0x80, s14;
	s19 =	sadd.s32 s19, s10  }
0x8e: {  	[hbm4b:s19+s4] =	stream.linear.scatter [tilespmem:s6], [sflag:$0x4], $0x40, $0x38;
	[tilespmem:$0x1E400] =	vst v63  }
0x8f: {  	_ =	swait.ge [sflag:s29], $0x2000  }
0x90: {  	[sflag:s29] =	ssyncset.done $0x0  }
0x91: {  	[sflag:s29] =	ssyncadd.s32 $0xFFFFE000  }
0x92: {  	_ =	swait.ge [sflag:s29], $0x1200  }
0x93: {  	[sflag:s29] =	ssyncset.done $0x0  }
0x94: {  	[sflag:s29] =	ssyncadd.s32 $0xFFFFEE00  }
0x95: {  	_ =	swait.ge [sflag:s30], $0x4000  }
0x96: {  	[sflag:s30] =	ssyncset.done $0x0  }
0x97: {  	[sflag:s30] =	ssyncadd.s32 $0xFFFFC000  }
0x98: {  	_ =	swait.ge [sflag:s30], $0x2400  }
0x99: {  	s6 =	simm.s32 $0xE400;
	s13 =	simm.s32 $0x8;
	[sflag:s30] =	ssyncset.done $0x0  }
0x9a: {  	s19 =	sadd.s32 $0x0, s11;
	s14 =	simm.s32 $0xE480;
	[sflag:s30] =	ssyncadd.s32 $0xFFFFDC00  }
.LBB2_21:
0x9b: {  	[hbm4b:s19+s4] =	stream.linear.scatter [tilespmem:s6], [sflag:$0x5], $0x40, $0x38;
	[tilespmem:$0x1E400] =	vst v63  }
0x9c: {  	s19 =	smov.u32 s13;
	s6 =	smov.u32 s14;
	p0 =	sne.s32 s13, $0x3F8  }
.Ltmp10:
0x9d: {  	s13 =	sadd.s32 $0x8, s13;
	(pc) =	sbr.rel @p0 .LBB2_21-.Ltmp10, $2  }
0x9e: {  	_ =	sdelay $0x2  }
0x9f: {  	s14 =	sadd.s32 $0x80, s14;
	s19 =	sadd.s32 s19, s11  }
0xa0: {  	[hbm4b:s19+s4] =	stream.linear.scatter [tilespmem:s6], [sflag:$0x5], $0x40, $0x38;
	[tilespmem:$0x1E400] =	vst v63  }
0xa1: {  	s6 =	simm.s32 $0x12400  }
0xa2: {  	s13 =	simm.s32 $0x8;
	s19 =	sadd.s32 $0x0, s12;
	s14 =	simm.s32 $0x12480  }
.LBB2_23:
0xa3: {  	[hbm4b:s19+s4] =	stream.linear.scatter [tilespmem:s6], [sflag:$0x5], $0x40, $0x38;
	[tilespmem:$0x1E400] =	vst v63  }
0xa4: {  	s19 =	smov.u32 s13;
	s6 =	smov.u32 s14;
	p0 =	sne.s32 s13, $0x238  }
.Ltmp11:
0xa5: {  	s13 =	sadd.s32 $0x8, s13;
	(pc) =	sbr.rel @p0 .LBB2_23-.Ltmp11, $2  }
0xa6: {  	_ =	sdelay $0x2  }
0xa7: {  	s14 =	sadd.s32 $0x80, s14;
	s19 =	sadd.s32 s19, s12  }
0xa8: {  	[hbm4b:s19+s4] =	stream.linear.scatter [tilespmem:s6], [sflag:$0x5], $0x40, $0x38;
	[tilespmem:$0x1E400] =	vst v63  }
0xa9: {  	_ =	swait.ge [sflag:s31], $0x2000  }
0xaa: {  	[sflag:s31] =	ssyncset.done $0x0  }
0xab: {  	[sflag:s31] =	ssyncadd.s32 $0xFFFFE000  }
0xac: {  	_ =	swait.ge [sflag:s31], $0x1200  }
0xad: {  	s13 =	rddreg [dreg:$0x5]  }
0xae: {  	s25 =	rddreg [dreg:$0x4];
	s13 =	sadd.s32 $0x1, s13  }
0xaf: {  	p0 =	sne.s32 s13, s25  }
.Ltmp12:
0xb0: {  	_ = 	snop;
	(pc) =	sbr.rel @p0 .LBB2_1-.Ltmp12, $3  }
0xb1: {  	_ =	sdelay $0x1  }
0xb2: {  	[sflag:s31] =	ssyncset.done $0x0  }
0xb3: {  	[sflag:s31] =	ssyncadd.s32 $0xFFFFEE00  }
0xb4: {  	_ =	sfence.sel $0x180000  }
0xb5: {  	[bflag:$0x0] =	sbarrier.arrive $0xFFFF  }
0xb6: {  	_ =	strace $0x90000047  }
0xb7: {  	s0 =	stileid.u32;
	[bflag:$0x2] =	sbarrier.arrive $0xFFFF  }
0xb8: {  	p0 =	sne.s32 s0, $0x0;
	s0 =	rddreg [dreg:$0x2]  }
0xb9: {  	s0 =	sadd.s32 @!p0 $0x100000, s0  }
0xba: {  	[sflag:s0] =	ssyncadd.tile.s32 @!p0 $0x1;
	_ =	shalt  }
.Lfunc_end2:
_tile_overlayer_lowered:
.L_overlay_start_2:
0xbb: {  	(tag) =	ssettag $0x2  }
0xbc: {  	s0 =	rddreg [dreg:$0x0];
	s2 =	stileid.u32  }
0xbd: {  	s1 =	rddreg [dreg:$0x1];
	p0 =	sne.s32 s2, $0x0  }
0xbe: {  	s3 =	rddreg [dreg:$0x2];
	[bflag:$0x3] =	sbarrier.arrive $0xFFFF;
	s2 =	simm.s32 @!p0 $0x1C07  }
0xbf: {  	[timem:s3], [sflag:s2] =	dma.local @!p0 [hbm:s0], s1  }
0xc0: {  	s0 =	simm.s32 @!p0 $0x7  }
0xc1: {  	_ =	swait.ge @!p0 [sflag:s0], s1  }
0xc2: {  	s1 =	ssub.s32 @!p0 $0x0, s1;
	[sflag:s0] =	ssyncset.done @!p0 $0x0  }
0xc3: {  	[sflag:s0] =	ssyncadd.s32 @!p0 s1  }
0xc4: {  	[bflag:$0x3] =	sbarrier.arrive $0xFFFF  }
0xc5: {  	_ =	shalt  }

// kernel: sparse-core-data-format-call.cloned.1.call-start
scs
called_computation_lowered:
.L_overlay_start_0:
0x0: {  	s2 =	sld [smem:$0x3FD9]  }
0x1: {  	s3 =	sld [smem:$0x3FFE];
	_ =	sdelay $0x1  }
0x2: {  	s1 =	srdreg.scid  }
0x3: {  	s0 =	sand.u32 $0x1, s1  }
0x4: {  	s18 =	sshll.u32 s0, $0xA;
	s2 =	sadd.s32 s3, s2  }
0x5: {  	s2 =	sadd.s32 s2, s18  }
0x6: {  	[smem:$0x3FC1] =	sst s2  }
0x7: {  	_ = 	snop  }
0x8: {  	s2 =	sld [smem:$0x3FD0];
	(tm) =	ssettm $0x1  }
0x9: {  	s19 =	sld [smem:$0x3FFB];
	_ =	sdelay $0x3  }
0xa: {  	_ =	strace s19  }
0xb: {  	s3 =	sld [smem:$0x3FFC];
	_ =	sdelay $0x3  }
0xc: {  	_ =	strace s3  }
0xd: {  	s3 =	sld [smem:$0x3FFD];
	_ =	sdelay $0x3  }
0xe: {  	_ =	strace s3  }
0xf: {  	_ =	strace $0x8FFFFFFF  }
0x10: {  	s20 =	sld [smem:$0x3FDB];
	_ =	sdelay $0x1  }
0x11: {  	s4 =	simm.s32 $_scs_section_size  }
0x12: {  	s5 =	simm.s32 $_size__tile_overlayer_lowered;
	s6 =	simm.s32 $_tile_overlayer_lowered  }
0x13: {  	s23 =	simm.s32 $0x1BFF;
	s22 =	sshll.u32 s6, $0x1;
	s3 =	sadd.s32 s4, s20  }
0x14: {  	s7 =	simm.s32 $0x0;
	s21 =	sshll.u32 s5, $0x1;
	s5 =	sadd.s32 s22, s3  }
0x15: {  	[timem:s7], [sflag:s23] =	dma.local [hbm:s5], s21  }
0x16: {  	_ =	swait.ge [sflag:s23], s21  }
0x17: {  	s4 =	ssub.s32 $0x0, s21;
	[sflag:s23] =	ssyncset.done $0x0  }
0x18: {  	[sflag:s23] =	ssyncadd.s32 s4;
	_ =	sdelay $0x1  }
0x19: {  	s24 =	simm.s32 $0x1B8B  }
0x1a: {  	_ =	swait.ge [sflag:s24], $0x1  }
0x1b: {  	[sflag:s24] =	ssyncset.done $0x0  }
0x1c: {  	s26 =	simm.s32 $0x1B8E;
	s25 =	sld [smem:$0x3FFE];
	[sflag:s24] =	ssyncadd.s32 $0xFFFFFFFF  }
0x1d: {  	s27 =	simm.s32 $execute0_lowered;
	[smem:$0x3FD2] =	sst s26  }
0x1e: {  	s5 =	sshll.u32 s27, $0x1;
	_ =	strace $0x80000049;
	[dreg:$0x1] =	wrdreg $0xFFFFFFFF  }
0x1f: {  	s28 =	simm.s32 $_size_execute0_lowered;
	s3 =	sadd.s32 s3, s5;
	[dreg:$0x0] =	wrdreg $0x0  }
0x20: {  	s5 =	sshll.u32 s28, $0x1;
	[dreg:$0x2] =	wrdreg s3  }
0x21: {  	[dreg:$0x3] =	wrdreg s5  }
0x22: {  	[dreg:$0x4] =	wrdreg $0xC0  }
0x23: {  	_ =	task [dreg:s7], $0x5FFFF  }
0x24: {  	[dreg:$0x1] =	wrdreg $0xFFFFFFFF  }
0x25: {  	[dreg:$0x0] =	wrdreg $0x60  }
0x26: {  	[dreg:$0x2] =	wrdreg s25  }
0x27: {  	[dreg:$0x3] =	wrdreg s2  }
0x28: {  	[dreg:$0x4] =	wrdreg $0x9  }
0x29: {  	_ =	task.clear_ibuf [dreg:s7], $0x5FFFF;
	_ =	strace $0x90000049  }
0x2a: {  	s29 =	simm.s32 $0x9;
	_ =	strace $0x8000004B  }
0x2b: {  	_ =	swait.ge [sflag:s29], $0x1  }
0x2c: {  	[sflag:s29] =	ssyncadd.s32 $0xFFFFFFFF  }
0x2d: {  	_ =	strace $0x9000004B  }
0x2e: {  	_ =	sfence  }
0x2f: {  	s30 =	sld [smem:$0x0];
	_ =	sdelay $0x2  }
0x30: {  	s31 =	sshll.u32 s1, $0xD;
	s1 =	sshrl.u32 s1, $0x2  }
0x31: {  	s3 =	sand.u32 $0x4000, s31;
	s1 =	sadd.s32 s1, s30  }
0x32: {  	s0 =	sor.u32 s3, s0;
	s1 =	sshll.u32 s1, $0x11  }
0x33: {  	s0 =	sor.u32 s1, s0  }
0x34: {  	s0 =	sadd.s32 $0x8F2B, s0  }
0x35: {  	[sflag:s0] =	ssyncadd.remote.s32 $0x1  }
0x36: {  	_ =	sfence.sel $0xFFFF  }
0x37: {  	[dreg:$0x0] =	wrdreg $0xFFFFFFFF;
	(pc) =	sbr.abs _section_cstart, $3  }
0x38: {  	[dreg:$0x1] =	wrdreg $0xFFFFFFFF  }
0x39: {  	_ =	task.clear_ibuf [dreg:s7], $0x2FFFF;
	_ =	strace $0x9FFFFFFF  }
0x3a: {  	(tm) =	ssettm $0x7FFFFFFF  }
0x3b: {  	_ =	shalt  }
tec
execute0_lowered:
.L_overlay_start_1:
0x0: {  	(tag) =	ssettag $0x1  }
0x1: {  	s0 =	srdreg.scid  }
0x2: {  	s1 =	sshll.u32 s0, $0x4  }
0x3: {  	s0 =	stileid.u32;
	s1 =	sand.u32 $0x10, s1  }
0x4: {  	s1 =	sor.u32 s0, s1  }
0x5: {  	s6 =	rddreg [dreg:$0x0];
	s4 =	simm.s32 $0x1;
	s2 =	sshll.u32 s1, $0x7  }
0x6: {  	s7 =	simm.s32 $0x2;
	s12 =	simm.s32 $0x0;
	s1 =	ssub.s32 $0x1000, s2  }
0x7: {  	s8 =	simm.s32 $0x8000;
	s13 =	simm.s32 $0x0;
	s3 =	sand.u32 $0xF80, s1  }
0x8: {  	s9 =	simm.s32 $0x0;
	s5 =	sshrl.u32 s1, $0xC;
	p0 =	sne.s32 s3, $0x0  }
.Ltmp0:
0x9: {  	s1 =	rddreg [dreg:$0x2];
	s4 =	simm.s32 @!p0 $0x0;
	(pc) =	sbr.rel .LBB1_1-.Ltmp0, $4  }
0xa: {  	s11 =	simm.s32 $0x0;
	s3 =	rddreg [dreg:$0x1];
	s5 =	sadd.s32 s4, s5  }
0xb: {  	_ =	strace $0x8000004A;
	s4 =	simm.s32 $0x1;
	s5 =	smul.u32 $0xC8, s5  }
0xc: {  	s6 =	sadd.s32 $0xE00, s6;
	s10 =	smov.u32 s2;
	[sflag:s4] =	ssyncpa.u1 $0x0  }
0xd: {  	p0 =	por $0x0, $0x0;
	[sflag:s7] =	ssyncpa.u1 $0x0;
	s7 =	sor.u32 $0x1, s5  }
.LBB1_4:
0xe: {  	s16 =	sshll.u32 s13, $0x3;
	s17 =	sand.u32 $0x78, s13  }
0xf: {  	s30 =	sand.u32 $0x7E00, s13;
	s12 =	sshll.u32 s12, $0xF;
	s16 =	sand.u32 $0xC00, s16  }
0x10: {  	[tilespmem:s15+$0x810 ss:$0x81] =	vst.msk $0xffff, v2;
	s31 =	sand.u32 $0x7, s13;
	s16 =	sor.u32 s17, s16;
	s17 =	sadd.s32 s3, s30  }
0x11: {  	[tilespmem:s15+$0x1020 ss:$0x81] =	vst.msk $0xffff, v0;
	s13 =	sshll.u32 s31, $0x12;
	s12 =	sadd.s32 s12, s17;
	s16 =	sshrl.u32 s16, $0x3  }
0x12: {  	[tilespmem:s15+$0x0 ss:$0x81] =	vst.msk $0xffff, v1;
	s13 =	sor.u32 $0x400, s13;
	s12 =	sadd.s32 s16, s12  }
0x13: {  	[hbm4b:s12+s13] =	stream.strided.scatter [tilespmem:s14], [sflag:$0x2], $0x2000, s8, s13, $0x20;
	[tilespmem:$0x8080] =	vst v63  }
.LBB1_5:
0x14: {  	s14 =	sadd.s32 $0x1, s9  }
0x15: {  	s12 =	sadd.s32 $0x1000, s10;
	s16 =	smov.u32 s10;
	p2 =	sgt.s32 s14, $0xC7  }
0x16: {  	s16 =	smov.u32 @p2 s12  }
0x17: {  	s14 =	simm.s32 @p2 $0x0;
	p2 =	sgt.s32 s16, $0xFFF  }
0x18: {  	s16 =	smov.u32 @p2 s2;
	p2 =	sne.s32 s11, s7  }
.Ltmp1:
0x19: {  	p1 =	slt.u32 s11, $0x2;
	(pc) =	sbr.rel @!p2 .LBB1_6-.Ltmp1, $4  }
0x1a: {  	s15 =	simm.s32 @!p1 $0x2  }
0x1b: {  	s13 =	smov.u32 s10;
	p0 =	por !p0, !p0;
	_ =	swait.ge @!p1 [sflag:s15], $0x2000  }
0x1c: {  	s12 =	smov.u32 s9;
	[sflag:s15] =	ssyncset.done @!p1 $0x0;
	s9 =	smov.u32 s14  }
0x1d: {  	s11 =	sadd.s32 $0x1, s11;
	[sflag:s15] =	ssyncadd.s32 @!p1 $0xFFFFE000;
	s10 =	smov.u32 s16  }
.LBB1_1:
0x1e: {  	p1 =	sge.u32 s11, s5  }
0x1f: {  	s14 =	sand.u32 @!p1 $0x1FFFFFF, s9  }
0x20: {  	s15 =	smulhi.u32 @!p1 $0x147AE15, s14;
	_ =	sdelay $0x1  }
0x21: {  	s15 =	smul.u32 @!p1 $0xC8, s15  }
0x22: {  	s16 =	sxor.u32 @!p1 $0xFFFFFFFF, s11;
	s17 =	smul.u32 @!p1 $0xC80, s10  }
0x23: {  	s31 =	sadd.s32 $0xFFFFFFFF, s11;
	s16 =	sshll.u32 @!p1 s16, $0xD;
	s14 =	ssub.s32 @!p1 s14, s15  }
0x24: {  	s15 =	sand.u32 @!p1 $0x2000, s16;
	s16 =	sadd.s32 @!p1 s6, s17;
	s14 =	sshll.u32 @!p1 s14, $0x4  }
0x25: {  	s17 =	simm.s32 @!p1 $0x6400;
	s14 =	sadd.s32 @!p1 s14, s16;
	s16 =	simm.s32 @!p1 $0x40  }
0x26: {  	[tilespmem:s15], [sflag:$0x1] =	stream.strided.gather @!p1 [hbm4b:s14+s16], $0x2000, s17, s16, $0x38;
	[tilespmem:$0x8080] =	vst v63  }
0x27: {  	p1 =	sge.u32 s31, s5  }
.Ltmp2:
0x28: {  	_ = 	snop;
	(pc) =	sbr.rel @p1 .LBB1_5-.Ltmp2, $1  }
0x29: {  	_ =	sdelay $0x3  }
0x2a: {  	s14 =	simm.s32 $0x1  }
0x2b: {  	_ =	swait.ge [sflag:s4], $0x2000;
	s14 =	simm.s32 @!p0 $0x0  }
0x2c: {  	[sflag:s4] =	ssyncset.done $0x0;
	s15 =	sshll.u32 s14, $0xD  }
0x2d: {  	[sflag:s4] =	ssyncadd.s32 $0xFFFFE000;
	s18 =	sor.u32 $0x20, s15  }
0x2e: {  	s14 =	smul.u32 $0x8100, s14;
	v3 =	vld [tilespmem:s18+$0x10]  }
0x2f: {  	s30 =	sand.u32 $0x1, s11;
	v2 =	vld [tilespmem:s18+$0xFFFFFFF0]  }
0x30: {  	s15 =	smul.u32 $0x8100, s30;
	s14 =	sshrl.u32 s14, $0x2;
	v0 =	vld [tilespmem:s18+$0x0]  }
0x31: {  	v1 =	vld [tilespmem:s18+$0xFFFFFFE0];
	s16 =	sor.u32 $0x4000, s14  }
0x32: {  	s31 =	sshrl.u32 s15, $0x2;
	s15 =	sadd.s32 $0x0, s16  }
0x33: {  	s17 =	simm.s32 $0x4;
	s18 =	sadd.s32 $0x40, s18;
	s14 =	sor.u32 $0x4000, s31;
	[tilespmem:s15+$0x1830 ss:$0x81] =	vst.msk $0xffff, v3  }
.LBB1_3:
0x34: {  	v3 =	vld [tilespmem:s18+$0x10];
	p1 =	sne.s32 s17, $0x1FC;
	[tilespmem:s15+$0x810 ss:$0x81] =	vst.msk $0xffff, v2;
	s19 =	smov.u32 s17;
	s17 =	sadd.s32 $0x4, s17  }
.Ltmp3:
0x35: {  	v2 =	vld [tilespmem:s18+$0xFFFFFFF0];
	[tilespmem:s15+$0x1020 ss:$0x81] =	vst.msk $0xffff, v0;
	(pc) =	sbr.rel @p1 .LBB1_3-.Ltmp3, $4  }
0x36: {  	v0 =	vld [tilespmem:s18+$0x0];
	[tilespmem:s15+$0x0 ss:$0x81] =	vst.msk $0xffff, v1  }
0x37: {  	s15 =	sshra.s32 s19, $0x2;
	v1 =	vld [tilespmem:s18+$0xFFFFFFE0]  }
0x38: {  	s15 =	sadd.s32 s15, s16  }
0x39: {  	s18 =	sadd.s32 $0x40, s18;
	[tilespmem:s15+$0x1830 ss:$0x81] =	vst.msk $0xffff, v3  }
.Ltmp4:
0x3a: {  	_ = 	snop;
	(pc) =	sbr.rel .LBB1_4-.Ltmp4, $1  }
0x3b: {  	_ =	sdelay $0x3  }
.LBB1_6:
0x3c: {  	_ =	sfence.sel $0x180000  }
0x3d: {  	s2 =	simm.s32 $0x1;
	[bflag:$0x0] =	sbarrier.arrive $0xFFFF  }
0x3e: {  	s31 =	simm.s32 $0x2;
	[sflag:s2] =	ssyncpa.u1 $0x1  }
0x3f: {  	[sflag:s31] =	ssyncpa.u1 $0x1  }
0x40: {  	p0 =	sne.s32 s0, $0x0;
	_ =	strace $0x9000004A  }
0x41: {  	s0 =	sadd.s32 @!p0 $0x100000, s1;
	[bflag:$0x2] =	sbarrier.arrive $0xFFFF  }
0x42: {  	[sflag:s0] =	ssyncadd.tile.s32 @!p0 $0x1;
	_ =	shalt  }
.Lfunc_end1:
_tile_overlayer_lowered:
.L_overlay_start_2:
0x43: {  	(tag) =	ssettag $0x2  }
0x44: {  	s0 =	rddreg [dreg:$0x0];
	s2 =	stileid.u32  }
0x45: {  	s1 =	rddreg [dreg:$0x1];
	p0 =	sne.s32 s2, $0x0  }
0x46: {  	s3 =	rddreg [dreg:$0x2];
	[bflag:$0x3] =	sbarrier.arrive $0xFFFF;
	s2 =	simm.s32 @!p0 $0x1C01  }
0x47: {  	[timem:s3], [sflag:s2] =	dma.local @!p0 [hbm:s0], s1  }
0x48: {  	s0 =	simm.s32 @!p0 $0x1  }
0x49: {  	_ =	swait.ge @!p0 [sflag:s0], s1  }
0x4a: {  	s1 =	ssub.s32 @!p0 $0x0, s1;
	[sflag:s0] =	ssyncset.done @!p0 $0x0  }
0x4b: {  	[sflag:s0] =	ssyncadd.s32 @!p0 s1  }
0x4c: {  	[bflag:$0x3] =	sbarrier.arrive $0xFFFF  }
0x4d: {  	_ =	shalt  }

</sc_bundles>
